<compile_context>
chip_gen: v7x
topology: tpu7x:2x2x1
jax: 0.10.2.dev20260603
libtpu: 0.0.44.dev20260713+nightly
codegen_flags: <defaults>
</compile_context>

<pallas_src>
import jax
import jax.numpy as jnp
import numpy as np
from jax import lax
from jax.experimental import pallas as pl
from jax.experimental.pallas import tpu as pltpu
from jax.experimental.pallas import tpu_sc as plsc

VOCAB = 1000000
BATCH = 4096
HIST = 200
EMBED_DIM = 64
NUM_CLASSES = 100

NUM_CORES = 2
NUM_SUBCORES = 16
NUM_WORKERS = NUM_CORES * NUM_SUBCORES
ROWS_PER_W = BATCH // NUM_WORKERS
LANES = 16
CHUNKS = (104, 96)
PK_W = EMBED_DIM // 2

_HALF = 4096
_QB = 4
_NTB = -(-VOCAB // (_QB * _HALF))
_NCB = -(-VOCAB // _HALF)
ROWS_PK = _NTB * _QB * _HALF


def _tr_body(a_ref, o_ref):
  parts = []
  for q in range(_QB):
    vb = a_ref[:, q * _HALF:(q + 1) * _HALF].astype(jnp.bfloat16)
    parts.append(pltpu.bitcast(vb, jnp.float32))
  vp = jnp.concatenate(parts, axis=0)
  o_ref[...] = jnp.transpose(vp)


def _transpose_table(tt):
  return pl.pallas_call(
      _tr_body,
      grid=(_NTB,),
      in_specs=[pl.BlockSpec((EMBED_DIM, _QB * _HALF), lambda i: (0, i))],
      out_specs=pl.BlockSpec((_HALF, 128), lambda i: (i, 0)),
      out_shape=jax.ShapeDtypeStruct((ROWS_PK // 4, 128), jnp.float32),
  )(tt)


def _perm(e):
  return ((e >> 14) << 14) + ((e & (_HALF - 1)) << 2) + ((e >> 12) & (_QB - 1))


_NBUF = 4


def _pool_body(x_hbm, table_hbm, out_hbm, idx_v, rows_bufs, pooled_v, sems):
  wid = lax.axis_index("s") * NUM_CORES + lax.axis_index("c")
  base = wid * ROWS_PER_W

  pltpu.sync_copy(x_hbm.at[pl.ds(base, ROWS_PER_W), :], idx_v)

  def gather(r, buf, sem, start):
    off = 0
    for n in CHUNKS:
      cp = pltpu.make_async_copy(
          table_hbm.at[idx_v.at[r, pl.ds(off, n)]],
          buf.at[pl.ds(off, n), :], sem)
      if start:
        cp.start()
      else:
        cp.wait()
      off += n

  def accum(r, buf):
    def body(j, accs):
      out = []
      for c in range(2):
        w = buf[j, pl.ds(c * LANES, LANES)]
        lo, hi = plsc.unpack(plsc.bitcast(w, jnp.bfloat16),
                             format=plsc.PackFormat.INTERLEAVED)
        out.append(accs[2 * c] + lo)
        out.append(accs[2 * c + 1] + hi)
      return tuple(out)
    accs = lax.fori_loop(
        0, HIST, body,
        tuple(jnp.zeros((LANES,), jnp.float32) for _ in range(4)),
        unroll=8)
    for q in range(4):
      pooled_v[r, pl.ds(q * LANES, LANES)] = accs[q]

  for b in range(_NBUF):
    gather(b, rows_bufs[b], sems[b], True)

  def step(i, _):
    r0 = _NBUF * i
    for b in range(_NBUF):
      r = r0 + b
      gather(r, rows_bufs[b], sems[b], False)

      @pl.when(r + _NBUF < ROWS_PER_W)
      def _():
        gather(r + _NBUF, rows_bufs[b], sems[b], True)

      accum(r, rows_bufs[b])
    return 0

  lax.fori_loop(0, ROWS_PER_W // _NBUF, step, 0)

  pltpu.sync_copy(pooled_v, out_hbm.at[pl.ds(base, ROWS_PER_W), :])


_pool = pl.kernel(
    _pool_body,
    out_type=jax.ShapeDtypeStruct((BATCH, EMBED_DIM), jnp.float32),
    mesh=plsc.VectorSubcoreMesh(core_axis_name="c", subcore_axis_name="s"),
    scratch_types=[
        pltpu.VMEM((ROWS_PER_W, HIST), jnp.int32),
        [pltpu.VMEM((HIST, PK_W), jnp.float32) for _ in range(_NBUF)],
        pltpu.VMEM((ROWS_PER_W, EMBED_DIM), jnp.float32),
        [pltpu.SemaphoreType.DMA for _ in range(_NBUF)],
    ],
    compiler_params=pltpu.CompilerParams(
        use_tc_tiling_on_sc=False, needs_layout_passes=False),
)

_POOL_COLS = np.concatenate([
    np.arange(0, 32, 2), np.arange(1, 32, 2),
    np.arange(32, 64, 2), np.arange(33, 64, 2)])


def _head_body(p_ref, w_ref, b_ref, o_ref):
  o_ref[...] = lax.dot_general(
      p_ref[...], w_ref[...], (((1,), (1,)), ((), ())),
      preferred_element_type=jnp.float32) + b_ref[...]


_B_BLK = 512
_C_PAD = 128


@jax.jit
def kernel(x, table, W, b):
  xp = _perm(x.astype(jnp.int32))
  table_pk = _transpose_table(jnp.transpose(table)).reshape(ROWS_PK, PK_W)
  pooled = _pool(xp, table_pk)

  w_perm = W[:, _POOL_COLS]
  w_pad = jnp.zeros((_C_PAD, EMBED_DIM), jnp.float32).at[:NUM_CLASSES].set(
      w_perm)
  b_pad = jnp.zeros((1, _C_PAD), jnp.float32).at[0, :NUM_CLASSES].set(b)

  logits = pl.pallas_call(
      _head_body,
      grid=(BATCH // _B_BLK,),
      in_specs=[
          pl.BlockSpec((_B_BLK, EMBED_DIM), lambda i: (i, 0)),
          pl.BlockSpec((_C_PAD, EMBED_DIM), lambda i: (0, 0)),
          pl.BlockSpec((1, _C_PAD), lambda i: (0, 0)),
      ],
      out_specs=pl.BlockSpec((_B_BLK, _C_PAD), lambda i: (i, 0)),
      out_shape=jax.ShapeDtypeStruct((BATCH, _C_PAD), jnp.float32),
  )(pooled, w_pad, b_pad)
  return logits[:, :NUM_CLASSES]

# --- scband reference (transcript-rebuilt; emitter-appended) ---
"""Pipeline reference for scband-single-cell-type-classifier-16432544874582 (READ-ONLY COPY).

The authoritative reference and input builder live on the scoring server;
editing this copy changes nothing except your own understanding.
"""

import jax, jax.numpy as jnp
import numpy as np

VOCAB = 1000000
EMBED_DIM = 64
NUM_CLASSES = 100
BATCH = 4096
HIST = 200


def setup_inputs(seed: int = 0) -> dict:
    key = jax.random.key(seed)
    k1, k2, k3 = jax.random.split(key, 3)
    x = jax.random.randint(k1, (BATCH, HIST), 0, VOCAB)
    table = jax.random.normal(k2, (VOCAB, EMBED_DIM), dtype=jnp.float32) * 0.02
    W = jax.random.normal(k3, (NUM_CLASSES, EMBED_DIM), dtype=jnp.float32) * 0.05
    b = jnp.zeros((NUM_CLASSES,), dtype=jnp.float32)
    return {"x": x, "table": table, "W": W, "b": b}


def reference(x, table, W, b):
    # region2vec: embedding lookup -> [B, L, D]
    emb = jnp.take(table, x, axis=0)
    # sum-pool over region sequence dim -> [B, D]
    pooled = jnp.sum(emb, axis=1)
    # output linear layer -> [B, num_classes]
    logits = pooled @ W.T + b
    return logits

if __name__ == "__main__":
    import jax
    _d = setup_inputs()
    print(jax.jit(kernel)(*tuple(_d.values())))

</pallas_src>

<mosaic_0001>
#map = affine_map<(d0, d1) -> (0, 0)>
module attributes {stable_mosaic.version = 14 : i64} {
  func.func @_pool_body(%arg0: i32, %arg1: i32, %arg2: memref<4096x200xi32, #tpu.memory_space<hbm>>, %arg3: memref<1015808x32xf32, #tpu.memory_space<hbm>>, %arg4: memref<4096x64xf32, #tpu.memory_space<hbm>>, %arg5: memref<128x200xi32, #tpu.memory_space<vmem>>, %arg6: memref<200x32xf32, #tpu.memory_space<vmem>>, %arg7: memref<200x32xf32, #tpu.memory_space<vmem>>, %arg8: memref<200x32xf32, #tpu.memory_space<vmem>>, %arg9: memref<200x32xf32, #tpu.memory_space<vmem>>, %arg10: memref<128x64xf32, #tpu.memory_space<vmem>>, %arg11: memref<!tpu.dma_semaphore, #tpu.memory_space<semaphore_mem>>, %arg12: memref<!tpu.dma_semaphore, #tpu.memory_space<semaphore_mem>>, %arg13: memref<!tpu.dma_semaphore, #tpu.memory_space<semaphore_mem>>, %arg14: memref<!tpu.dma_semaphore, #tpu.memory_space<semaphore_mem>>) attributes {dimension_semantics = [#tpu.dimension_semantics<core_parallel>, #tpu.dimension_semantics<subcore_parallel>], iteration_bounds = array<i64: 2, 16>, scalar_prefetch = 0 : i64, scratch_operands = 10 : i64, tpu.core_type = #tpu.core_type<sc_vector_subcore>, window_params = [{transform_indices = #map}, {transform_indices = #map}, {transform_indices = #map}]} {
    %mul3A = arith.constant 2 : i32
    %mul3A_0 = arith.muli %arg1, %mul3A : i32
    %add3A = arith.addi %mul3A_0, %arg0 : i32
    %mul3A_1 = arith.constant 128 : i32
    %mul3A_2 = arith.muli %add3A, %mul3A_1 : i32
    "tpu.region"() ({
      %run_scoped3A = tpu.sem_alloc : memref<!tpu.dma_semaphore, #tpu.memory_space<semaphore_mem>>
      %dma_start3A_88 = arith.constant 0 : i32
      %dma_start3A_89 = tpu.memref_slice %arg2[%mul3A_2, %dma_start3A_88] : memref<4096x200xi32, #tpu.memory_space<hbm>> -> memref<128x200xi32, #tpu.memory_space<hbm>>
      %dma_start3A_90 = arith.constant 0 : i32
      %dma_start3A_91 = tpu.memref_slice %arg2[%mul3A_2, %dma_start3A_90] : memref<4096x200xi32, #tpu.memory_space<hbm>> -> memref<128x200xi32, #tpu.memory_space<hbm>>
      tpu.enqueue_dma source(%dma_start3A_91 : memref<128x200xi32, #tpu.memory_space<hbm>>) target(%arg5 : memref<128x200xi32, #tpu.memory_space<vmem>>) target_semaphore(%run_scoped3A : memref<!tpu.dma_semaphore, #tpu.memory_space<semaphore_mem>>)
      %dma_wait3A = arith.constant 0 : i32
      %dma_wait3A_92 = tpu.memref_slice %arg2[%mul3A_2, %dma_wait3A] : memref<4096x200xi32, #tpu.memory_space<hbm>> -> memref<128x200xi32, #tpu.memory_space<hbm>>
      %dma_wait3A_93 = arith.constant 0 : i32
      %dma_wait3A_94 = tpu.memref_slice %arg2[%mul3A_2, %dma_wait3A_93] : memref<4096x200xi32, #tpu.memory_space<hbm>> -> memref<128x200xi32, #tpu.memory_space<hbm>>
      tpu.wait_dma2 semaphore(%run_scoped3A : memref<!tpu.dma_semaphore, #tpu.memory_space<semaphore_mem>>) src(%dma_wait3A_94 : memref<128x200xi32, #tpu.memory_space<hbm>>) dst(%arg5 : memref<128x200xi32, #tpu.memory_space<vmem>>)
      tpu.yield
    }) : () -> ()
    %dma_start3A = arith.constant 0 : i32
    %dma_start3A_3 = arith.constant 0 : i32
    %dma_start3A_4 = arith.constant 0 : i32
    %dma_start3A_5 = tpu.memref_slice %arg6[%dma_start3A_3, %dma_start3A_4] : memref<200x32xf32, #tpu.memory_space<vmem>> -> memref<104x32xf32, #tpu.memory_space<vmem>>
    %dma_start3A_6 = arith.constant 0 : i32
    %dma_start3A_7 = tpu.memref_slice %arg5[%dma_start3A, %dma_start3A_6] : memref<128x200xi32, #tpu.memory_space<vmem>> -> memref<1x104xi32, #tpu.memory_space<vmem>>
    %dma_start3A_8 = tpu.memref_squeeze %dma_start3A_7 : memref<1x104xi32, #tpu.memory_space<vmem>> -> memref<104xi32, #tpu.memory_space<vmem>>
    %dma_start3A_9 = arith.constant 0 : i32
    %dma_start3A_10 = arith.constant 0 : i32
    %dma_start3A_11 = tpu.memref_slice %arg3[%dma_start3A_9, %dma_start3A_10] : memref<1015808x32xf32, #tpu.memory_space<hbm>> -> memref<1015808x32xf32, #tpu.memory_space<hbm>>
    tpu.enqueue_indirect_dma source(%dma_start3A_11 : memref<1015808x32xf32, #tpu.memory_space<hbm>>) target(%dma_start3A_5 : memref<104x32xf32, #tpu.memory_space<vmem>>) offsets(%dma_start3A_8 : memref<104xi32, #tpu.memory_space<vmem>>) semaphore(%arg11 : memref<!tpu.dma_semaphore, #tpu.memory_space<semaphore_mem>>)
    %dma_start3A_12 = arith.constant 0 : i32
    %dma_start3A_13 = arith.constant 104 : i32
    %dma_start3A_14 = arith.constant 0 : i32
    %dma_start3A_15 = tpu.memref_slice %arg6[%dma_start3A_13, %dma_start3A_14] : memref<200x32xf32, #tpu.memory_space<vmem>> -> memref<96x32xf32, #tpu.memory_space<vmem>>
    %dma_start3A_16 = arith.constant 104 : i32
    %dma_start3A_17 = tpu.memref_slice %arg5[%dma_start3A_12, %dma_start3A_16] : memref<128x200xi32, #tpu.memory_space<vmem>> -> memref<1x96xi32, #tpu.memory_space<vmem>>
    %dma_start3A_18 = tpu.memref_squeeze %dma_start3A_17 : memref<1x96xi32, #tpu.memory_space<vmem>> -> memref<96xi32, #tpu.memory_space<vmem>>
    %dma_start3A_19 = arith.constant 0 : i32
    %dma_start3A_20 = arith.constant 0 : i32
    %dma_start3A_21 = tpu.memref_slice %arg3[%dma_start3A_19, %dma_start3A_20] : memref<1015808x32xf32, #tpu.memory_space<hbm>> -> memref<1015808x32xf32, #tpu.memory_space<hbm>>
    tpu.enqueue_indirect_dma source(%dma_start3A_21 : memref<1015808x32xf32, #tpu.memory_space<hbm>>) target(%dma_start3A_15 : memref<96x32xf32, #tpu.memory_space<vmem>>) offsets(%dma_start3A_18 : memref<96xi32, #tpu.memory_space<vmem>>) semaphore(%arg11 : memref<!tpu.dma_semaphore, #tpu.memory_space<semaphore_mem>>)
    %dma_start3A_22 = arith.constant 1 : i32
    %dma_start3A_23 = arith.constant 0 : i32
    %dma_start3A_24 = arith.constant 0 : i32
    %dma_start3A_25 = tpu.memref_slice %arg7[%dma_start3A_23, %dma_start3A_24] : memref<200x32xf32, #tpu.memory_space<vmem>> -> memref<104x32xf32, #tpu.memory_space<vmem>>
    %dma_start3A_26 = arith.constant 0 : i32
    %dma_start3A_27 = tpu.memref_slice %arg5[%dma_start3A_22, %dma_start3A_26] : memref<128x200xi32, #tpu.memory_space<vmem>> -> memref<1x104xi32, #tpu.memory_space<vmem>>
    %dma_start3A_28 = tpu.memref_squeeze %dma_start3A_27 : memref<1x104xi32, #tpu.memory_space<vmem>> -> memref<104xi32, #tpu.memory_space<vmem>>
    %dma_start3A_29 = arith.constant 0 : i32
    %dma_start3A_30 = arith.constant 0 : i32
    %dma_start3A_31 = tpu.memref_slice %arg3[%dma_start3A_29, %dma_start3A_30] : memref<1015808x32xf32, #tpu.memory_space<hbm>> -> memref<1015808x32xf32, #tpu.memory_space<hbm>>
    tpu.enqueue_indirect_dma source(%dma_start3A_31 : memref<1015808x32xf32, #tpu.memory_space<hbm>>) target(%dma_start3A_25 : memref<104x32xf32, #tpu.memory_space<vmem>>) offsets(%dma_start3A_28 : memref<104xi32, #tpu.memory_space<vmem>>) semaphore(%arg12 : memref<!tpu.dma_semaphore, #tpu.memory_space<semaphore_mem>>)
    %dma_start3A_32 = arith.constant 1 : i32
    %dma_start3A_33 = arith.constant 104 : i32
    %dma_start3A_34 = arith.constant 0 : i32
    %dma_start3A_35 = tpu.memref_slice %arg7[%dma_start3A_33, %dma_start3A_34] : memref<200x32xf32, #tpu.memory_space<vmem>> -> memref<96x32xf32, #tpu.memory_space<vmem>>
    %dma_start3A_36 = arith.constant 104 : i32
    %dma_start3A_37 = tpu.memref_slice %arg5[%dma_start3A_32, %dma_start3A_36] : memref<128x200xi32, #tpu.memory_space<vmem>> -> memref<1x96xi32, #tpu.memory_space<vmem>>
    %dma_start3A_38 = tpu.memref_squeeze %dma_start3A_37 : memref<1x96xi32, #tpu.memory_space<vmem>> -> memref<96xi32, #tpu.memory_space<vmem>>
    %dma_start3A_39 = arith.constant 0 : i32
    %dma_start3A_40 = arith.constant 0 : i32
    %dma_start3A_41 = tpu.memref_slice %arg3[%dma_start3A_39, %dma_start3A_40] : memref<1015808x32xf32, #tpu.memory_space<hbm>> -> memref<1015808x32xf32, #tpu.memory_space<hbm>>
    tpu.enqueue_indirect_dma source(%dma_start3A_41 : memref<1015808x32xf32, #tpu.memory_space<hbm>>) target(%dma_start3A_35 : memref<96x32xf32, #tpu.memory_space<vmem>>) offsets(%dma_start3A_38 : memref<96xi32, #tpu.memory_space<vmem>>) semaphore(%arg12 : memref<!tpu.dma_semaphore, #tpu.memory_space<semaphore_mem>>)
    %dma_start3A_42 = arith.constant 2 : i32
    %dma_start3A_43 = arith.constant 0 : i32
    %dma_start3A_44 = arith.constant 0 : i32
    %dma_start3A_45 = tpu.memref_slice %arg8[%dma_start3A_43, %dma_start3A_44] : memref<200x32xf32, #tpu.memory_space<vmem>> -> memref<104x32xf32, #tpu.memory_space<vmem>>
    %dma_start3A_46 = arith.constant 0 : i32
    %dma_start3A_47 = tpu.memref_slice %arg5[%dma_start3A_42, %dma_start3A_46] : memref<128x200xi32, #tpu.memory_space<vmem>> -> memref<1x104xi32, #tpu.memory_space<vmem>>
    %dma_start3A_48 = tpu.memref_squeeze %dma_start3A_47 : memref<1x104xi32, #tpu.memory_space<vmem>> -> memref<104xi32, #tpu.memory_space<vmem>>
    %dma_start3A_49 = arith.constant 0 : i32
    %dma_start3A_50 = arith.constant 0 : i32
    %dma_start3A_51 = tpu.memref_slice %arg3[%dma_start3A_49, %dma_start3A_50] : memref<1015808x32xf32, #tpu.memory_space<hbm>> -> memref<1015808x32xf32, #tpu.memory_space<hbm>>
    tpu.enqueue_indirect_dma source(%dma_start3A_51 : memref<1015808x32xf32, #tpu.memory_space<hbm>>) target(%dma_start3A_45 : memref<104x32xf32, #tpu.memory_space<vmem>>) offsets(%dma_start3A_48 : memref<104xi32, #tpu.memory_space<vmem>>) semaphore(%arg13 : memref<!tpu.dma_semaphore, #tpu.memory_space<semaphore_mem>>)
    %dma_start3A_52 = arith.constant 2 : i32
    %dma_start3A_53 = arith.constant 104 : i32
    %dma_start3A_54 = arith.constant 0 : i32
    %dma_start3A_55 = tpu.memref_slice %arg8[%dma_start3A_53, %dma_start3A_54] : memref<200x32xf32, #tpu.memory_space<vmem>> -> memref<96x32xf32, #tpu.memory_space<vmem>>
    %dma_start3A_56 = arith.constant 104 : i32
    %dma_start3A_57 = tpu.memref_slice %arg5[%dma_start3A_52, %dma_start3A_56] : memref<128x200xi32, #tpu.memory_space<vmem>> -> memref<1x96xi32, #tpu.memory_space<vmem>>
    %dma_start3A_58 = tpu.memref_squeeze %dma_start3A_57 : memref<1x96xi32, #tpu.memory_space<vmem>> -> memref<96xi32, #tpu.memory_space<vmem>>
    %dma_start3A_59 = arith.constant 0 : i32
    %dma_start3A_60 = arith.constant 0 : i32
    %dma_start3A_61 = tpu.memref_slice %arg3[%dma_start3A_59, %dma_start3A_60] : memref<1015808x32xf32, #tpu.memory_space<hbm>> -> memref<1015808x32xf32, #tpu.memory_space<hbm>>
    tpu.enqueue_indirect_dma source(%dma_start3A_61 : memref<1015808x32xf32, #tpu.memory_space<hbm>>) target(%dma_start3A_55 : memref<96x32xf32, #tpu.memory_space<vmem>>) offsets(%dma_start3A_58 : memref<96xi32, #tpu.memory_space<vmem>>) semaphore(%arg13 : memref<!tpu.dma_semaphore, #tpu.memory_space<semaphore_mem>>)
    %dma_start3A_62 = arith.constant 3 : i32
    %dma_start3A_63 = arith.constant 0 : i32
    %dma_start3A_64 = arith.constant 0 : i32
    %dma_start3A_65 = tpu.memref_slice %arg9[%dma_start3A_63, %dma_start3A_64] : memref<200x32xf32, #tpu.memory_space<vmem>> -> memref<104x32xf32, #tpu.memory_space<vmem>>
    %dma_start3A_66 = arith.constant 0 : i32
    %dma_start3A_67 = tpu.memref_slice %arg5[%dma_start3A_62, %dma_start3A_66] : memref<128x200xi32, #tpu.memory_space<vmem>> -> memref<1x104xi32, #tpu.memory_space<vmem>>
    %dma_start3A_68 = tpu.memref_squeeze %dma_start3A_67 : memref<1x104xi32, #tpu.memory_space<vmem>> -> memref<104xi32, #tpu.memory_space<vmem>>
    %dma_start3A_69 = arith.constant 0 : i32
    %dma_start3A_70 = arith.constant 0 : i32
    %dma_start3A_71 = tpu.memref_slice %arg3[%dma_start3A_69, %dma_start3A_70] : memref<1015808x32xf32, #tpu.memory_space<hbm>> -> memref<1015808x32xf32, #tpu.memory_space<hbm>>
    tpu.enqueue_indirect_dma source(%dma_start3A_71 : memref<1015808x32xf32, #tpu.memory_space<hbm>>) target(%dma_start3A_65 : memref<104x32xf32, #tpu.memory_space<vmem>>) offsets(%dma_start3A_68 : memref<104xi32, #tpu.memory_space<vmem>>) semaphore(%arg14 : memref<!tpu.dma_semaphore, #tpu.memory_space<semaphore_mem>>)
    %dma_start3A_72 = arith.constant 3 : i32
    %dma_start3A_73 = arith.constant 104 : i32
    %dma_start3A_74 = arith.constant 0 : i32
    %dma_start3A_75 = tpu.memref_slice %arg9[%dma_start3A_73, %dma_start3A_74] : memref<200x32xf32, #tpu.memory_space<vmem>> -> memref<96x32xf32, #tpu.memory_space<vmem>>
    %dma_start3A_76 = arith.constant 104 : i32
    %dma_start3A_77 = tpu.memref_slice %arg5[%dma_start3A_72, %dma_start3A_76] : memref<128x200xi32, #tpu.memory_space<vmem>> -> memref<1x96xi32, #tpu.memory_space<vmem>>
    %dma_start3A_78 = tpu.memref_squeeze %dma_start3A_77 : memref<1x96xi32, #tpu.memory_space<vmem>> -> memref<96xi32, #tpu.memory_space<vmem>>
    %dma_start3A_79 = arith.constant 0 : i32
    %dma_start3A_80 = arith.constant 0 : i32
    %dma_start3A_81 = tpu.memref_slice %arg3[%dma_start3A_79, %dma_start3A_80] : memref<1015808x32xf32, #tpu.memory_space<hbm>> -> memref<1015808x32xf32, #tpu.memory_space<hbm>>
    tpu.enqueue_indirect_dma source(%dma_start3A_81 : memref<1015808x32xf32, #tpu.memory_space<hbm>>) target(%dma_start3A_75 : memref<96x32xf32, #tpu.memory_space<vmem>>) offsets(%dma_start3A_78 : memref<96xi32, #tpu.memory_space<vmem>>) semaphore(%arg14 : memref<!tpu.dma_semaphore, #tpu.memory_space<semaphore_mem>>)
    %scan3A = arith.constant 0 : i32
    %scan3A_82 = arith.constant 0 : i32
    %scan3A_83 = arith.constant 32 : i32
    %scan3A_84 = arith.addi %scan3A_82, %scan3A_83 : i32
    %scan3A_85 = arith.constant 1 : i32
    %scan3A_86 = scf.for %scan3A_88 = %scan3A_82 to %scan3A_84 step %scan3A_85 iter_args(%scan3A_89 = %scan3A) -> (i32)  : i32 {
      %mul3A_90 = arith.constant 4 : i32
      %mul3A_91 = arith.muli %mul3A_90, %scan3A_88 : i32
      %add3A_92 = arith.constant 0 : i32
      %add3A_93 = arith.addi %mul3A_91, %add3A_92 : i32
      %dma_wait3A = arith.constant 0 : i32
      %dma_wait3A_94 = arith.constant 0 : i32
      %dma_wait3A_95 = tpu.memref_slice %arg6[%dma_wait3A, %dma_wait3A_94] : memref<200x32xf32, #tpu.memory_space<vmem>> -> memref<104x32xf32, #tpu.memory_space<vmem>>
      %dma_wait3A_96 = arith.constant 0 : i32
      %dma_wait3A_97 = tpu.memref_slice %arg5[%add3A_93, %dma_wait3A_96] : memref<128x200xi32, #tpu.memory_space<vmem>> -> memref<1x104xi32, #tpu.memory_space<vmem>>
      %dma_wait3A_98 = tpu.memref_squeeze %dma_wait3A_97 : memref<1x104xi32, #tpu.memory_space<vmem>> -> memref<104xi32, #tpu.memory_space<vmem>>
      %dma_wait3A_99 = arith.constant 0 : i32
      %dma_wait3A_100 = arith.constant 0 : i32
      %dma_wait3A_101 = tpu.memref_slice %arg3[%dma_wait3A_99, %dma_wait3A_100] : memref<1015808x32xf32, #tpu.memory_space<hbm>> -> memref<1015808x32xf32, #tpu.memory_space<hbm>>
      tpu.wait_indirect_dma semaphore(%arg11 : memref<!tpu.dma_semaphore, #tpu.memory_space<semaphore_mem>>) src(%dma_wait3A_101 : memref<1015808x32xf32, #tpu.memory_space<hbm>>) dst(%dma_wait3A_95 : memref<104x32xf32, #tpu.memory_space<vmem>>)
      %dma_wait3A_102 = arith.constant 104 : i32
      %dma_wait3A_103 = arith.constant 0 : i32
      %dma_wait3A_104 = tpu.memref_slice %arg6[%dma_wait3A_102, %dma_wait3A_103] : memref<200x32xf32, #tpu.memory_space<vmem>> -> memref<96x32xf32, #tpu.memory_space<vmem>>
      %dma_wait3A_105 = arith.constant 104 : i32
      %dma_wait3A_106 = tpu.memref_slice %arg5[%add3A_93, %dma_wait3A_105] : memref<128x200xi32, #tpu.memory_space<vmem>> -> memref<1x96xi32, #tpu.memory_space<vmem>>
      %dma_wait3A_107 = tpu.memref_squeeze %dma_wait3A_106 : memref<1x96xi32, #tpu.memory_space<vmem>> -> memref<96xi32, #tpu.memory_space<vmem>>
      %dma_wait3A_108 = arith.constant 0 : i32
      %dma_wait3A_109 = arith.constant 0 : i32
      %dma_wait3A_110 = tpu.memref_slice %arg3[%dma_wait3A_108, %dma_wait3A_109] : memref<1015808x32xf32, #tpu.memory_space<hbm>> -> memref<1015808x32xf32, #tpu.memory_space<hbm>>
      tpu.wait_indirect_dma semaphore(%arg11 : memref<!tpu.dma_semaphore, #tpu.memory_space<semaphore_mem>>) src(%dma_wait3A_110 : memref<1015808x32xf32, #tpu.memory_space<hbm>>) dst(%dma_wait3A_104 : memref<96x32xf32, #tpu.memory_space<vmem>>)
      %add3A_111 = arith.constant 4 : i32
      %add3A_112 = arith.addi %add3A_93, %add3A_111 : i32
      %lt3A = arith.constant 128 : i32
      %lt3A_113 = arith.cmpi slt, %add3A_112, %lt3A : i32
      %convert_element_type3A = arith.extui %lt3A_113 : i1 to i32
      %cond3A = arith.constant 0 : i32
      %cond3A_114 = arith.cmpi ne, %convert_element_type3A, %cond3A : i32
      scf.if %cond3A_114 {
        %add3A_299 = arith.constant 4 : i32
        %add3A_300 = arith.addi %add3A_93, %add3A_299 : i32
        %dma_start3A_301 = arith.constant 0 : i32
        %dma_start3A_302 = arith.constant 0 : i32
        %dma_start3A_303 = tpu.memref_slice %arg6[%dma_start3A_301, %dma_start3A_302] : memref<200x32xf32, #tpu.memory_space<vmem>> -> memref<104x32xf32, #tpu.memory_space<vmem>>
        %dma_start3A_304 = arith.constant 0 : i32
        %dma_start3A_305 = tpu.memref_slice %arg5[%add3A_300, %dma_start3A_304] : memref<128x200xi32, #tpu.memory_space<vmem>> -> memref<1x104xi32, #tpu.memory_space<vmem>>
        %dma_start3A_306 = tpu.memref_squeeze %dma_start3A_305 : memref<1x104xi32, #tpu.memory_space<vmem>> -> memref<104xi32, #tpu.memory_space<vmem>>
        %dma_start3A_307 = arith.constant 0 : i32
        %dma_start3A_308 = arith.constant 0 : i32
        %dma_start3A_309 = tpu.memref_slice %arg3[%dma_start3A_307, %dma_start3A_308] : memref<1015808x32xf32, #tpu.memory_space<hbm>> -> memref<1015808x32xf32, #tpu.memory_space<hbm>>
        tpu.enqueue_indirect_dma source(%dma_start3A_309 : memref<1015808x32xf32, #tpu.memory_space<hbm>>) target(%dma_start3A_303 : memref<104x32xf32, #tpu.memory_space<vmem>>) offsets(%dma_start3A_306 : memref<104xi32, #tpu.memory_space<vmem>>) semaphore(%arg11 : memref<!tpu.dma_semaphore, #tpu.memory_space<semaphore_mem>>)
        %dma_start3A_310 = arith.constant 104 : i32
        %dma_start3A_311 = arith.constant 0 : i32
        %dma_start3A_312 = tpu.memref_slice %arg6[%dma_start3A_310, %dma_start3A_311] : memref<200x32xf32, #tpu.memory_space<vmem>> -> memref<96x32xf32, #tpu.memory_space<vmem>>
        %dma_start3A_313 = arith.constant 104 : i32
        %dma_start3A_314 = tpu.memref_slice %arg5[%add3A_300, %dma_start3A_313] : memref<128x200xi32, #tpu.memory_space<vmem>> -> memref<1x96xi32, #tpu.memory_space<vmem>>
        %dma_start3A_315 = tpu.memref_squeeze %dma_start3A_314 : memref<1x96xi32, #tpu.memory_space<vmem>> -> memref<96xi32, #tpu.memory_space<vmem>>
        %dma_start3A_316 = arith.constant 0 : i32
        %dma_start3A_317 = arith.constant 0 : i32
        %dma_start3A_318 = tpu.memref_slice %arg3[%dma_start3A_316, %dma_start3A_317] : memref<1015808x32xf32, #tpu.memory_space<hbm>> -> memref<1015808x32xf32, #tpu.memory_space<hbm>>
        tpu.enqueue_indirect_dma source(%dma_start3A_318 : memref<1015808x32xf32, #tpu.memory_space<hbm>>) target(%dma_start3A_312 : memref<96x32xf32, #tpu.memory_space<vmem>>) offsets(%dma_start3A_315 : memref<96xi32, #tpu.memory_space<vmem>>) semaphore(%arg11 : memref<!tpu.dma_semaphore, #tpu.memory_space<semaphore_mem>>)
      } else {
      }
      %broadcast_in_dim3A = arith.constant 0.000000e+00 : f32
      %broadcast_in_dim3A_115 = vector.broadcast %broadcast_in_dim3A : f32 to vector<16xf32>
      %broadcast_in_dim3A_116 = arith.constant 0.000000e+00 : f32
      %broadcast_in_dim3A_117 = vector.broadcast %broadcast_in_dim3A_116 : f32 to vector<16xf32>
      %broadcast_in_dim3A_118 = arith.constant 0.000000e+00 : f32
      %broadcast_in_dim3A_119 = vector.broadcast %broadcast_in_dim3A_118 : f32 to vector<16xf32>
      %broadcast_in_dim3A_120 = arith.constant 0.000000e+00 : f32
      %broadcast_in_dim3A_121 = vector.broadcast %broadcast_in_dim3A_120 : f32 to vector<16xf32>
      %scan3A_122 = arith.constant 0 : i32
      %scan3A_123 = arith.constant 200 : i32
      %scan3A_124 = arith.addi %scan3A_122, %scan3A_123 : i32
      %scan3A_125 = arith.constant 8 : i32
      %scan3A_126:4 = scf.for %scan3A_299 = %scan3A_122 to %scan3A_124 step %scan3A_125 iter_args(%scan3A_300 = %broadcast_in_dim3A_115, %scan3A_301 = %broadcast_in_dim3A_117, %scan3A_302 = %broadcast_in_dim3A_119, %scan3A_303 = %broadcast_in_dim3A_121) -> (vector<16xf32>, vector<16xf32>, vector<16xf32>, vector<16xf32>)  : i32 {
        %get3A = arith.index_cast %scan3A_299 : i32 to index
        %get3A_304 = arith.constant 0 : index
        %get3A_305 = tpu.vector_load %arg6[%get3A, %get3A_304] {strides = array<i32>} : memref<200x32xf32, #tpu.memory_space<vmem>>, vector<16xf32>,
        %bitcast3A = vector.bitcast %get3A_305 : vector<16xf32> to vector<32xbf16>
        %unpack3A = tpu.unpack_subelements %bitcast3A, 0 {pack_format = #tpu.pack_format<interleaved>} : vector<32xbf16> -> vector<16xf32>
        %unpack3A_306 = tpu.unpack_subelements %bitcast3A, 1 {pack_format = #tpu.pack_format<interleaved>} : vector<32xbf16> -> vector<16xf32>
        %add3A_307 = arith.addf %scan3A_300, %unpack3A : vector<16xf32>
        %add3A_308 = arith.addf %scan3A_301, %unpack3A_306 : vector<16xf32>
        %get3A_309 = arith.index_cast %scan3A_299 : i32 to index
        %get3A_310 = arith.constant 16 : index
        %get3A_311 = tpu.vector_load %arg6[%get3A_309, %get3A_310] {strides = array<i32>} : memref<200x32xf32, #tpu.memory_space<vmem>>, vector<16xf32>,
        %bitcast3A_312 = vector.bitcast %get3A_311 : vector<16xf32> to vector<32xbf16>
        %unpack3A_313 = tpu.unpack_subelements %bitcast3A_312, 0 {pack_format = #tpu.pack_format<interleaved>} : vector<32xbf16> -> vector<16xf32>
        %unpack3A_314 = tpu.unpack_subelements %bitcast3A_312, 1 {pack_format = #tpu.pack_format<interleaved>} : vector<32xbf16> -> vector<16xf32>
        %add3A_315 = arith.addf %scan3A_302, %unpack3A_313 : vector<16xf32>
        %add3A_316 = arith.addf %scan3A_303, %unpack3A_314 : vector<16xf32>
        %scan3A_317 = arith.constant 1 : i32
        %scan3A_318 = arith.addi %scan3A_299, %scan3A_317 : i32
        %get3A_319 = arith.index_cast %scan3A_318 : i32 to index
        %get3A_320 = arith.constant 0 : index
        %get3A_321 = tpu.vector_load %arg6[%get3A_319, %get3A_320] {strides = array<i32>} : memref<200x32xf32, #tpu.memory_space<vmem>>, vector<16xf32>,
        %bitcast3A_322 = vector.bitcast %get3A_321 : vector<16xf32> to vector<32xbf16>
        %unpack3A_323 = tpu.unpack_subelements %bitcast3A_322, 0 {pack_format = #tpu.pack_format<interleaved>} : vector<32xbf16> -> vector<16xf32>
        %unpack3A_324 = tpu.unpack_subelements %bitcast3A_322, 1 {pack_format = #tpu.pack_format<interleaved>} : vector<32xbf16> -> vector<16xf32>
        %add3A_325 = arith.addf %add3A_307, %unpack3A_323 : vector<16xf32>
        %add3A_326 = arith.addf %add3A_308, %unpack3A_324 : vector<16xf32>
        %get3A_327 = arith.index_cast %scan3A_318 : i32 to index
        %get3A_328 = arith.constant 16 : index
        %get3A_329 = tpu.vector_load %arg6[%get3A_327, %get3A_328] {strides = array<i32>} : memref<200x32xf32, #tpu.memory_space<vmem>>, vector<16xf32>,
        %bitcast3A_330 = vector.bitcast %get3A_329 : vector<16xf32> to vector<32xbf16>
        %unpack3A_331 = tpu.unpack_subelements %bitcast3A_330, 0 {pack_format = #tpu.pack_format<interleaved>} : vector<32xbf16> -> vector<16xf32>
        %unpack3A_332 = tpu.unpack_subelements %bitcast3A_330, 1 {pack_format = #tpu.pack_format<interleaved>} : vector<32xbf16> -> vector<16xf32>
        %add3A_333 = arith.addf %add3A_315, %unpack3A_331 : vector<16xf32>
        %add3A_334 = arith.addf %add3A_316, %unpack3A_332 : vector<16xf32>
        %scan3A_335 = arith.constant 2 : i32
        %scan3A_336 = arith.addi %scan3A_299, %scan3A_335 : i32
        %get3A_337 = arith.index_cast %scan3A_336 : i32 to index
        %get3A_338 = arith.constant 0 : index
        %get3A_339 = tpu.vector_load %arg6[%get3A_337, %get3A_338] {strides = array<i32>} : memref<200x32xf32, #tpu.memory_space<vmem>>, vector<16xf32>,
        %bitcast3A_340 = vector.bitcast %get3A_339 : vector<16xf32> to vector<32xbf16>
        %unpack3A_341 = tpu.unpack_subelements %bitcast3A_340, 0 {pack_format = #tpu.pack_format<interleaved>} : vector<32xbf16> -> vector<16xf32>
        %unpack3A_342 = tpu.unpack_subelements %bitcast3A_340, 1 {pack_format = #tpu.pack_format<interleaved>} : vector<32xbf16> -> vector<16xf32>
        %add3A_343 = arith.addf %add3A_325, %unpack3A_341 : vector<16xf32>
        %add3A_344 = arith.addf %add3A_326, %unpack3A_342 : vector<16xf32>
        %get3A_345 = arith.index_cast %scan3A_336 : i32 to index
        %get3A_346 = arith.constant 16 : index
        %get3A_347 = tpu.vector_load %arg6[%get3A_345, %get3A_346] {strides = array<i32>} : memref<200x32xf32, #tpu.memory_space<vmem>>, vector<16xf32>,
        %bitcast3A_348 = vector.bitcast %get3A_347 : vector<16xf32> to vector<32xbf16>
        %unpack3A_349 = tpu.unpack_subelements %bitcast3A_348, 0 {pack_format = #tpu.pack_format<interleaved>} : vector<32xbf16> -> vector<16xf32>
        %unpack3A_350 = tpu.unpack_subelements %bitcast3A_348, 1 {pack_format = #tpu.pack_format<interleaved>} : vector<32xbf16> -> vector<16xf32>
        %add3A_351 = arith.addf %add3A_333, %unpack3A_349 : vector<16xf32>
        %add3A_352 = arith.addf %add3A_334, %unpack3A_350 : vector<16xf32>
        %scan3A_353 = arith.constant 3 : i32
        %scan3A_354 = arith.addi %scan3A_299, %scan3A_353 : i32
        %get3A_355 = arith.index_cast %scan3A_354 : i32 to index
        %get3A_356 = arith.constant 0 : index
        %get3A_357 = tpu.vector_load %arg6[%get3A_355, %get3A_356] {strides = array<i32>} : memref<200x32xf32, #tpu.memory_space<vmem>>, vector<16xf32>,
        %bitcast3A_358 = vector.bitcast %get3A_357 : vector<16xf32> to vector<32xbf16>
        %unpack3A_359 = tpu.unpack_subelements %bitcast3A_358, 0 {pack_format = #tpu.pack_format<interleaved>} : vector<32xbf16> -> vector<16xf32>
        %unpack3A_360 = tpu.unpack_subelements %bitcast3A_358, 1 {pack_format = #tpu.pack_format<interleaved>} : vector<32xbf16> -> vector<16xf32>
        %add3A_361 = arith.addf %add3A_343, %unpack3A_359 : vector<16xf32>
        %add3A_362 = arith.addf %add3A_344, %unpack3A_360 : vector<16xf32>
        %get3A_363 = arith.index_cast %scan3A_354 : i32 to index
        %get3A_364 = arith.constant 16 : index
        %get3A_365 = tpu.vector_load %arg6[%get3A_363, %get3A_364] {strides = array<i32>} : memref<200x32xf32, #tpu.memory_space<vmem>>, vector<16xf32>,
        %bitcast3A_366 = vector.bitcast %get3A_365 : vector<16xf32> to vector<32xbf16>
        %unpack3A_367 = tpu.unpack_subelements %bitcast3A_366, 0 {pack_format = #tpu.pack_format<interleaved>} : vector<32xbf16> -> vector<16xf32>
        %unpack3A_368 = tpu.unpack_subelements %bitcast3A_366, 1 {pack_format = #tpu.pack_format<interleaved>} : vector<32xbf16> -> vector<16xf32>
        %add3A_369 = arith.addf %add3A_351, %unpack3A_367 : vector<16xf32>
        %add3A_370 = arith.addf %add3A_352, %unpack3A_368 : vector<16xf32>
        %scan3A_371 = arith.constant 4 : i32
        %scan3A_372 = arith.addi %scan3A_299, %scan3A_371 : i32
        %get3A_373 = arith.index_cast %scan3A_372 : i32 to index
        %get3A_374 = arith.constant 0 : index
        %get3A_375 = tpu.vector_load %arg6[%get3A_373, %get3A_374] {strides = array<i32>} : memref<200x32xf32, #tpu.memory_space<vmem>>, vector<16xf32>,
        %bitcast3A_376 = vector.bitcast %get3A_375 : vector<16xf32> to vector<32xbf16>
        %unpack3A_377 = tpu.unpack_subelements %bitcast3A_376, 0 {pack_format = #tpu.pack_format<interleaved>} : vector<32xbf16> -> vector<16xf32>
        %unpack3A_378 = tpu.unpack_subelements %bitcast3A_376, 1 {pack_format = #tpu.pack_format<interleaved>} : vector<32xbf16> -> vector<16xf32>
        %add3A_379 = arith.addf %add3A_361, %unpack3A_377 : vector<16xf32>
        %add3A_380 = arith.addf %add3A_362, %unpack3A_378 : vector<16xf32>
        %get3A_381 = arith.index_cast %scan3A_372 : i32 to index
        %get3A_382 = arith.constant 16 : index
        %get3A_383 = tpu.vector_load %arg6[%get3A_381, %get3A_382] {strides = array<i32>} : memref<200x32xf32, #tpu.memory_space<vmem>>, vector<16xf32>,
        %bitcast3A_384 = vector.bitcast %get3A_383 : vector<16xf32> to vector<32xbf16>
        %unpack3A_385 = tpu.unpack_subelements %bitcast3A_384, 0 {pack_format = #tpu.pack_format<interleaved>} : vector<32xbf16> -> vector<16xf32>
        %unpack3A_386 = tpu.unpack_subelements %bitcast3A_384, 1 {pack_format = #tpu.pack_format<interleaved>} : vector<32xbf16> -> vector<16xf32>
        %add3A_387 = arith.addf %add3A_369, %unpack3A_385 : vector<16xf32>
        %add3A_388 = arith.addf %add3A_370, %unpack3A_386 : vector<16xf32>
        %scan3A_389 = arith.constant 5 : i32
        %scan3A_390 = arith.addi %scan3A_299, %scan3A_389 : i32
        %get3A_391 = arith.index_cast %scan3A_390 : i32 to index
        %get3A_392 = arith.constant 0 : index
        %get3A_393 = tpu.vector_load %arg6[%get3A_391, %get3A_392] {strides = array<i32>} : memref<200x32xf32, #tpu.memory_space<vmem>>, vector<16xf32>,
        %bitcast3A_394 = vector.bitcast %get3A_393 : vector<16xf32> to vector<32xbf16>
        %unpack3A_395 = tpu.unpack_subelements %bitcast3A_394, 0 {pack_format = #tpu.pack_format<interleaved>} : vector<32xbf16> -> vector<16xf32>
        %unpack3A_396 = tpu.unpack_subelements %bitcast3A_394, 1 {pack_format = #tpu.pack_format<interleaved>} : vector<32xbf16> -> vector<16xf32>
        %add3A_397 = arith.addf %add3A_379, %unpack3A_395 : vector<16xf32>
        %add3A_398 = arith.addf %add3A_380, %unpack3A_396 : vector<16xf32>
        %get3A_399 = arith.index_cast %scan3A_390 : i32 to index
        %get3A_400 = arith.constant 16 : index
        %get3A_401 = tpu.vector_load %arg6[%get3A_399, %get3A_400] {strides = array<i32>} : memref<200x32xf32, #tpu.memory_space<vmem>>, vector<16xf32>,
        %bitcast3A_402 = vector.bitcast %get3A_401 : vector<16xf32> to vector<32xbf16>
        %unpack3A_403 = tpu.unpack_subelements %bitcast3A_402, 0 {pack_format = #tpu.pack_format<interleaved>} : vector<32xbf16> -> vector<16xf32>
        %unpack3A_404 = tpu.unpack_subelements %bitcast3A_402, 1 {pack_format = #tpu.pack_format<interleaved>} : vector<32xbf16> -> vector<16xf32>
        %add3A_405 = arith.addf %add3A_387, %unpack3A_403 : vector<16xf32>
        %add3A_406 = arith.addf %add3A_388, %unpack3A_404 : vector<16xf32>
        %scan3A_407 = arith.constant 6 : i32
        %scan3A_408 = arith.addi %scan3A_299, %scan3A_407 : i32
        %get3A_409 = arith.index_cast %scan3A_408 : i32 to index
        %get3A_410 = arith.constant 0 : index
        %get3A_411 = tpu.vector_load %arg6[%get3A_409, %get3A_410] {strides = array<i32>} : memref<200x32xf32, #tpu.memory_space<vmem>>, vector<16xf32>,
        %bitcast3A_412 = vector.bitcast %get3A_411 : vector<16xf32> to vector<32xbf16>
        %unpack3A_413 = tpu.unpack_subelements %bitcast3A_412, 0 {pack_format = #tpu.pack_format<interleaved>} : vector<32xbf16> -> vector<16xf32>
        %unpack3A_414 = tpu.unpack_subelements %bitcast3A_412, 1 {pack_format = #tpu.pack_format<interleaved>} : vector<32xbf16> -> vector<16xf32>
        %add3A_415 = arith.addf %add3A_397, %unpack3A_413 : vector<16xf32>
        %add3A_416 = arith.addf %add3A_398, %unpack3A_414 : vector<16xf32>
        %get3A_417 = arith.index_cast %scan3A_408 : i32 to index
        %get3A_418 = arith.constant 16 : index
        %get3A_419 = tpu.vector_load %arg6[%get3A_417, %get3A_418] {strides = array<i32>} : memref<200x32xf32, #tpu.memory_space<vmem>>, vector<16xf32>,
        %bitcast3A_420 = vector.bitcast %get3A_419 : vector<16xf32> to vector<32xbf16>
        %unpack3A_421 = tpu.unpack_subelements %bitcast3A_420, 0 {pack_format = #tpu.pack_format<interleaved>} : vector<32xbf16> -> vector<16xf32>
        %unpack3A_422 = tpu.unpack_subelements %bitcast3A_420, 1 {pack_format = #tpu.pack_format<interleaved>} : vector<32xbf16> -> vector<16xf32>
        %add3A_423 = arith.addf %add3A_405, %unpack3A_421 : vector<16xf32>
        %add3A_424 = arith.addf %add3A_406, %unpack3A_422 : vector<16xf32>
        %scan3A_425 = arith.constant 7 : i32
        %scan3A_426 = arith.addi %scan3A_299, %scan3A_425 : i32
        %get3A_427 = arith.index_cast %scan3A_426 : i32 to index
        %get3A_428 = arith.constant 0 : index
        %get3A_429 = tpu.vector_load %arg6[%get3A_427, %get3A_428] {strides = array<i32>} : memref<200x32xf32, #tpu.memory_space<vmem>>, vector<16xf32>,
        %bitcast3A_430 = vector.bitcast %get3A_429 : vector<16xf32> to vector<32xbf16>
        %unpack3A_431 = tpu.unpack_subelements %bitcast3A_430, 0 {pack_format = #tpu.pack_format<interleaved>} : vector<32xbf16> -> vector<16xf32>
        %unpack3A_432 = tpu.unpack_subelements %bitcast3A_430, 1 {pack_format = #tpu.pack_format<interleaved>} : vector<32xbf16> -> vector<16xf32>
        %add3A_433 = arith.addf %add3A_415, %unpack3A_431 : vector<16xf32>
        %add3A_434 = arith.addf %add3A_416, %unpack3A_432 : vector<16xf32>
        %get3A_435 = arith.index_cast %scan3A_426 : i32 to index
        %get3A_436 = arith.constant 16 : index
        %get3A_437 = tpu.vector_load %arg6[%get3A_435, %get3A_436] {strides = array<i32>} : memref<200x32xf32, #tpu.memory_space<vmem>>, vector<16xf32>,
        %bitcast3A_438 = vector.bitcast %get3A_437 : vector<16xf32> to vector<32xbf16>
        %unpack3A_439 = tpu.unpack_subelements %bitcast3A_438, 0 {pack_format = #tpu.pack_format<interleaved>} : vector<32xbf16> -> vector<16xf32>
        %unpack3A_440 = tpu.unpack_subelements %bitcast3A_438, 1 {pack_format = #tpu.pack_format<interleaved>} : vector<32xbf16> -> vector<16xf32>
        %add3A_441 = arith.addf %add3A_423, %unpack3A_439 : vector<16xf32>
        %add3A_442 = arith.addf %add3A_424, %unpack3A_440 : vector<16xf32>
        scf.yield %add3A_433, %add3A_434, %add3A_441, %add3A_442 : vector<16xf32>, vector<16xf32>, vector<16xf32>, vector<16xf32>
      }
      %scan3A_127 = arith.constant 200 : i32
      %swap3A = arith.index_cast %add3A_93 : i32 to index
      %swap3A_128 = arith.constant 0 : index
      %swap3A_129 = tpu.vector_load %arg10[%swap3A, %swap3A_128] {strides = array<i32>} : memref<128x64xf32, #tpu.memory_space<vmem>>, vector<16xf32>,
      tpu.vector_store %arg10[%swap3A, %swap3A_128], %scan3A_126#0 {strides = array<i32>} : memref<128x64xf32, #tpu.memory_space<vmem>>, vector<16xf32>,
      %swap3A_130 = arith.index_cast %add3A_93 : i32 to index
      %swap3A_131 = arith.constant 16 : index
      %swap3A_132 = tpu.vector_load %arg10[%swap3A_130, %swap3A_131] {strides = array<i32>} : memref<128x64xf32, #tpu.memory_space<vmem>>, vector<16xf32>,
      tpu.vector_store %arg10[%swap3A_130, %swap3A_131], %scan3A_126#1 {strides = array<i32>} : memref<128x64xf32, #tpu.memory_space<vmem>>, vector<16xf32>,
      %swap3A_133 = arith.index_cast %add3A_93 : i32 to index
      %swap3A_134 = arith.constant 32 : index
      %swap3A_135 = tpu.vector_load %arg10[%swap3A_133, %swap3A_134] {strides = array<i32>} : memref<128x64xf32, #tpu.memory_space<vmem>>, vector<16xf32>,
      tpu.vector_store %arg10[%swap3A_133, %swap3A_134], %scan3A_126#2 {strides = array<i32>} : memref<128x64xf32, #tpu.memory_space<vmem>>, vector<16xf32>,
      %swap3A_136 = arith.index_cast %add3A_93 : i32 to index
      %swap3A_137 = arith.constant 48 : index
      %swap3A_138 = tpu.vector_load %arg10[%swap3A_136, %swap3A_137] {strides = array<i32>} : memref<128x64xf32, #tpu.memory_space<vmem>>, vector<16xf32>,
      tpu.vector_store %arg10[%swap3A_136, %swap3A_137], %scan3A_126#3 {strides = array<i32>} : memref<128x64xf32, #tpu.memory_space<vmem>>, vector<16xf32>,
      %add3A_139 = arith.constant 1 : i32
      %add3A_140 = arith.addi %mul3A_91, %add3A_139 : i32
      %dma_wait3A_141 = arith.constant 0 : i32
      %dma_wait3A_142 = arith.constant 0 : i32
      %dma_wait3A_143 = tpu.memref_slice %arg7[%dma_wait3A_141, %dma_wait3A_142] : memref<200x32xf32, #tpu.memory_space<vmem>> -> memref<104x32xf32, #tpu.memory_space<vmem>>
      %dma_wait3A_144 = arith.constant 0 : i32
      %dma_wait3A_145 = tpu.memref_slice %arg5[%add3A_140, %dma_wait3A_144] : memref<128x200xi32, #tpu.memory_space<vmem>> -> memref<1x104xi32, #tpu.memory_space<vmem>>
      %dma_wait3A_146 = tpu.memref_squeeze %dma_wait3A_145 : memref<1x104xi32, #tpu.memory_space<vmem>> -> memref<104xi32, #tpu.memory_space<vmem>>
      %dma_wait3A_147 = arith.constant 0 : i32
      %dma_wait3A_148 = arith.constant 0 : i32
      %dma_wait3A_149 = tpu.memref_slice %arg3[%dma_wait3A_147, %dma_wait3A_148] : memref<1015808x32xf32, #tpu.memory_space<hbm>> -> memref<1015808x32xf32, #tpu.memory_space<hbm>>
      tpu.wait_indirect_dma semaphore(%arg12 : memref<!tpu.dma_semaphore, #tpu.memory_space<semaphore_mem>>) src(%dma_wait3A_149 : memref<1015808x32xf32, #tpu.memory_space<hbm>>) dst(%dma_wait3A_143 : memref<104x32xf32, #tpu.memory_space<vmem>>)
      %dma_wait3A_150 = arith.constant 104 : i32
      %dma_wait3A_151 = arith.constant 0 : i32
      %dma_wait3A_152 = tpu.memref_slice %arg7[%dma_wait3A_150, %dma_wait3A_151] : memref<200x32xf32, #tpu.memory_space<vmem>> -> memref<96x32xf32, #tpu.memory_space<vmem>>
      %dma_wait3A_153 = arith.constant 104 : i32
      %dma_wait3A_154 = tpu.memref_slice %arg5[%add3A_140, %dma_wait3A_153] : memref<128x200xi32, #tpu.memory_space<vmem>> -> memref<1x96xi32, #tpu.memory_space<vmem>>
      %dma_wait3A_155 = tpu.memref_squeeze %dma_wait3A_154 : memref<1x96xi32, #tpu.memory_space<vmem>> -> memref<96xi32, #tpu.memory_space<vmem>>
      %dma_wait3A_156 = arith.constant 0 : i32
      %dma_wait3A_157 = arith.constant 0 : i32
      %dma_wait3A_158 = tpu.memref_slice %arg3[%dma_wait3A_156, %dma_wait3A_157] : memref<1015808x32xf32, #tpu.memory_space<hbm>> -> memref<1015808x32xf32, #tpu.memory_space<hbm>>
      tpu.wait_indirect_dma semaphore(%arg12 : memref<!tpu.dma_semaphore, #tpu.memory_space<semaphore_mem>>) src(%dma_wait3A_158 : memref<1015808x32xf32, #tpu.memory_space<hbm>>) dst(%dma_wait3A_152 : memref<96x32xf32, #tpu.memory_space<vmem>>)
      %add3A_159 = arith.constant 4 : i32
      %add3A_160 = arith.addi %add3A_140, %add3A_159 : i32
      %lt3A_161 = arith.constant 128 : i32
      %lt3A_162 = arith.cmpi slt, %add3A_160, %lt3A_161 : i32
      %convert_element_type3A_163 = arith.extui %lt3A_162 : i1 to i32
      %cond3A_164 = arith.constant 0 : i32
      %cond3A_165 = arith.cmpi ne, %convert_element_type3A_163, %cond3A_164 : i32
      scf.if %cond3A_165 {
        %add3A_299 = arith.constant 4 : i32
        %add3A_300 = arith.addi %add3A_140, %add3A_299 : i32
        %dma_start3A_301 = arith.constant 0 : i32
        %dma_start3A_302 = arith.constant 0 : i32
        %dma_start3A_303 = tpu.memref_slice %arg7[%dma_start3A_301, %dma_start3A_302] : memref<200x32xf32, #tpu.memory_space<vmem>> -> memref<104x32xf32, #tpu.memory_space<vmem>>
        %dma_start3A_304 = arith.constant 0 : i32
        %dma_start3A_305 = tpu.memref_slice %arg5[%add3A_300, %dma_start3A_304] : memref<128x200xi32, #tpu.memory_space<vmem>> -> memref<1x104xi32, #tpu.memory_space<vmem>>
        %dma_start3A_306 = tpu.memref_squeeze %dma_start3A_305 : memref<1x104xi32, #tpu.memory_space<vmem>> -> memref<104xi32, #tpu.memory_space<vmem>>
        %dma_start3A_307 = arith.constant 0 : i32
        %dma_start3A_308 = arith.constant 0 : i32
        %dma_start3A_309 = tpu.memref_slice %arg3[%dma_start3A_307, %dma_start3A_308] : memref<1015808x32xf32, #tpu.memory_space<hbm>> -> memref<1015808x32xf32, #tpu.memory_space<hbm>>
        tpu.enqueue_indirect_dma source(%dma_start3A_309 : memref<1015808x32xf32, #tpu.memory_space<hbm>>) target(%dma_start3A_303 : memref<104x32xf32, #tpu.memory_space<vmem>>) offsets(%dma_start3A_306 : memref<104xi32, #tpu.memory_space<vmem>>) semaphore(%arg12 : memref<!tpu.dma_semaphore, #tpu.memory_space<semaphore_mem>>)
        %dma_start3A_310 = arith.constant 104 : i32
        %dma_start3A_311 = arith.constant 0 : i32
        %dma_start3A_312 = tpu.memref_slice %arg7[%dma_start3A_310, %dma_start3A_311] : memref<200x32xf32, #tpu.memory_space<vmem>> -> memref<96x32xf32, #tpu.memory_space<vmem>>
        %dma_start3A_313 = arith.constant 104 : i32
        %dma_start3A_314 = tpu.memref_slice %arg5[%add3A_300, %dma_start3A_313] : memref<128x200xi32, #tpu.memory_space<vmem>> -> memref<1x96xi32, #tpu.memory_space<vmem>>
        %dma_start3A_315 = tpu.memref_squeeze %dma_start3A_314 : memref<1x96xi32, #tpu.memory_space<vmem>> -> memref<96xi32, #tpu.memory_space<vmem>>
        %dma_start3A_316 = arith.constant 0 : i32
        %dma_start3A_317 = arith.constant 0 : i32
        %dma_start3A_318 = tpu.memref_slice %arg3[%dma_start3A_316, %dma_start3A_317] : memref<1015808x32xf32, #tpu.memory_space<hbm>> -> memref<1015808x32xf32, #tpu.memory_space<hbm>>
        tpu.enqueue_indirect_dma source(%dma_start3A_318 : memref<1015808x32xf32, #tpu.memory_space<hbm>>) target(%dma_start3A_312 : memref<96x32xf32, #tpu.memory_space<vmem>>) offsets(%dma_start3A_315 : memref<96xi32, #tpu.memory_space<vmem>>) semaphore(%arg12 : memref<!tpu.dma_semaphore, #tpu.memory_space<semaphore_mem>>)
      } else {
      }
      %broadcast_in_dim3A_166 = arith.constant 0.000000e+00 : f32
      %broadcast_in_dim3A_167 = vector.broadcast %broadcast_in_dim3A_166 : f32 to vector<16xf32>
      %broadcast_in_dim3A_168 = arith.constant 0.000000e+00 : f32
      %broadcast_in_dim3A_169 = vector.broadcast %broadcast_in_dim3A_168 : f32 to vector<16xf32>
      %broadcast_in_dim3A_170 = arith.constant 0.000000e+00 : f32
      %broadcast_in_dim3A_171 = vector.broadcast %broadcast_in_dim3A_170 : f32 to vector<16xf32>
      %broadcast_in_dim3A_172 = arith.constant 0.000000e+00 : f32
      %broadcast_in_dim3A_173 = vector.broadcast %broadcast_in_dim3A_172 : f32 to vector<16xf32>
      %scan3A_174 = arith.constant 0 : i32
      %scan3A_175 = arith.constant 200 : i32
      %scan3A_176 = arith.addi %scan3A_174, %scan3A_175 : i32
      %scan3A_177 = arith.constant 8 : i32
      %scan3A_178:4 = scf.for %scan3A_299 = %scan3A_174 to %scan3A_176 step %scan3A_177 iter_args(%scan3A_300 = %broadcast_in_dim3A_167, %scan3A_301 = %broadcast_in_dim3A_169, %scan3A_302 = %broadcast_in_dim3A_171, %scan3A_303 = %broadcast_in_dim3A_173) -> (vector<16xf32>, vector<16xf32>, vector<16xf32>, vector<16xf32>)  : i32 {
        %get3A = arith.index_cast %scan3A_299 : i32 to index
        %get3A_304 = arith.constant 0 : index
        %get3A_305 = tpu.vector_load %arg7[%get3A, %get3A_304] {strides = array<i32>} : memref<200x32xf32, #tpu.memory_space<vmem>>, vector<16xf32>,
        %bitcast3A = vector.bitcast %get3A_305 : vector<16xf32> to vector<32xbf16>
        %unpack3A = tpu.unpack_subelements %bitcast3A, 0 {pack_format = #tpu.pack_format<interleaved>} : vector<32xbf16> -> vector<16xf32>
        %unpack3A_306 = tpu.unpack_subelements %bitcast3A, 1 {pack_format = #tpu.pack_format<interleaved>} : vector<32xbf16> -> vector<16xf32>
        %add3A_307 = arith.addf %scan3A_300, %unpack3A : vector<16xf32>
        %add3A_308 = arith.addf %scan3A_301, %unpack3A_306 : vector<16xf32>
        %get3A_309 = arith.index_cast %scan3A_299 : i32 to index
        %get3A_310 = arith.constant 16 : index
        %get3A_311 = tpu.vector_load %arg7[%get3A_309, %get3A_310] {strides = array<i32>} : memref<200x32xf32, #tpu.memory_space<vmem>>, vector<16xf32>,
        %bitcast3A_312 = vector.bitcast %get3A_311 : vector<16xf32> to vector<32xbf16>
        %unpack3A_313 = tpu.unpack_subelements %bitcast3A_312, 0 {pack_format = #tpu.pack_format<interleaved>} : vector<32xbf16> -> vector<16xf32>
        %unpack3A_314 = tpu.unpack_subelements %bitcast3A_312, 1 {pack_format = #tpu.pack_format<interleaved>} : vector<32xbf16> -> vector<16xf32>
        %add3A_315 = arith.addf %scan3A_302, %unpack3A_313 : vector<16xf32>
        %add3A_316 = arith.addf %scan3A_303, %unpack3A_314 : vector<16xf32>
        %scan3A_317 = arith.constant 1 : i32
        %scan3A_318 = arith.addi %scan3A_299, %scan3A_317 : i32
        %get3A_319 = arith.index_cast %scan3A_318 : i32 to index
        %get3A_320 = arith.constant 0 : index
        %get3A_321 = tpu.vector_load %arg7[%get3A_319, %get3A_320] {strides = array<i32>} : memref<200x32xf32, #tpu.memory_space<vmem>>, vector<16xf32>,
        %bitcast3A_322 = vector.bitcast %get3A_321 : vector<16xf32> to vector<32xbf16>
        %unpack3A_323 = tpu.unpack_subelements %bitcast3A_322, 0 {pack_format = #tpu.pack_format<interleaved>} : vector<32xbf16> -> vector<16xf32>
        %unpack3A_324 = tpu.unpack_subelements %bitcast3A_322, 1 {pack_format = #tpu.pack_format<interleaved>} : vector<32xbf16> -> vector<16xf32>
        %add3A_325 = arith.addf %add3A_307, %unpack3A_323 : vector<16xf32>
        %add3A_326 = arith.addf %add3A_308, %unpack3A_324 : vector<16xf32>
        %get3A_327 = arith.index_cast %scan3A_318 : i32 to index
        %get3A_328 = arith.constant 16 : index
        %get3A_329 = tpu.vector_load %arg7[%get3A_327, %get3A_328] {strides = array<i32>} : memref<200x32xf32, #tpu.memory_space<vmem>>, vector<16xf32>,
        %bitcast3A_330 = vector.bitcast %get3A_329 : vector<16xf32> to vector<32xbf16>
        %unpack3A_331 = tpu.unpack_subelements %bitcast3A_330, 0 {pack_format = #tpu.pack_format<interleaved>} : vector<32xbf16> -> vector<16xf32>
        %unpack3A_332 = tpu.unpack_subelements %bitcast3A_330, 1 {pack_format = #tpu.pack_format<interleaved>} : vector<32xbf16> -> vector<16xf32>
        %add3A_333 = arith.addf %add3A_315, %unpack3A_331 : vector<16xf32>
        %add3A_334 = arith.addf %add3A_316, %unpack3A_332 : vector<16xf32>
        %scan3A_335 = arith.constant 2 : i32
        %scan3A_336 = arith.addi %scan3A_299, %scan3A_335 : i32
        %get3A_337 = arith.index_cast %scan3A_336 : i32 to index
        %get3A_338 = arith.constant 0 : index
        %get3A_339 = tpu.vector_load %arg7[%get3A_337, %get3A_338] {strides = array<i32>} : memref<200x32xf32, #tpu.memory_space<vmem>>, vector<16xf32>,
        %bitcast3A_340 = vector.bitcast %get3A_339 : vector<16xf32> to vector<32xbf16>
        %unpack3A_341 = tpu.unpack_subelements %bitcast3A_340, 0 {pack_format = #tpu.pack_format<interleaved>} : vector<32xbf16> -> vector<16xf32>
        %unpack3A_342 = tpu.unpack_subelements %bitcast3A_340, 1 {pack_format = #tpu.pack_format<interleaved>} : vector<32xbf16> -> vector<16xf32>
        %add3A_343 = arith.addf %add3A_325, %unpack3A_341 : vector<16xf32>
        %add3A_344 = arith.addf %add3A_326, %unpack3A_342 : vector<16xf32>
        %get3A_345 = arith.index_cast %scan3A_336 : i32 to index
        %get3A_346 = arith.constant 16 : index
        %get3A_347 = tpu.vector_load %arg7[%get3A_345, %get3A_346] {strides = array<i32>} : memref<200x32xf32, #tpu.memory_space<vmem>>, vector<16xf32>,
        %bitcast3A_348 = vector.bitcast %get3A_347 : vector<16xf32> to vector<32xbf16>
        %unpack3A_349 = tpu.unpack_subelements %bitcast3A_348, 0 {pack_format = #tpu.pack_format<interleaved>} : vector<32xbf16> -> vector<16xf32>
        %unpack3A_350 = tpu.unpack_subelements %bitcast3A_348, 1 {pack_format = #tpu.pack_format<interleaved>} : vector<32xbf16> -> vector<16xf32>
        %add3A_351 = arith.addf %add3A_333, %unpack3A_349 : vector<16xf32>
        %add3A_352 = arith.addf %add3A_334, %unpack3A_350 : vector<16xf32>
        %scan3A_353 = arith.constant 3 : i32
        %scan3A_354 = arith.addi %scan3A_299, %scan3A_353 : i32
        %get3A_355 = arith.index_cast %scan3A_354 : i32 to index
        %get3A_356 = arith.constant 0 : index
        %get3A_357 = tpu.vector_load %arg7[%get3A_355, %get3A_356] {strides = array<i32>} : memref<200x32xf32, #tpu.memory_space<vmem>>, vector<16xf32>,
        %bitcast3A_358 = vector.bitcast %get3A_357 : vector<16xf32> to vector<32xbf16>
        %unpack3A_359 = tpu.unpack_subelements %bitcast3A_358, 0 {pack_format = #tpu.pack_format<interleaved>} : vector<32xbf16> -> vector<16xf32>
        %unpack3A_360 = tpu.unpack_subelements %bitcast3A_358, 1 {pack_format = #tpu.pack_format<interleaved>} : vector<32xbf16> -> vector<16xf32>
        %add3A_361 = arith.addf %add3A_343, %unpack3A_359 : vector<16xf32>
        %add3A_362 = arith.addf %add3A_344, %unpack3A_360 : vector<16xf32>
        %get3A_363 = arith.index_cast %scan3A_354 : i32 to index
        %get3A_364 = arith.constant 16 : index
        %get3A_365 = tpu.vector_load %arg7[%get3A_363, %get3A_364] {strides = array<i32>} : memref<200x32xf32, #tpu.memory_space<vmem>>, vector<16xf32>,
        %bitcast3A_366 = vector.bitcast %get3A_365 : vector<16xf32> to vector<32xbf16>
        %unpack3A_367 = tpu.unpack_subelements %bitcast3A_366, 0 {pack_format = #tpu.pack_format<interleaved>} : vector<32xbf16> -> vector<16xf32>
        %unpack3A_368 = tpu.unpack_subelements %bitcast3A_366, 1 {pack_format = #tpu.pack_format<interleaved>} : vector<32xbf16> -> vector<16xf32>
        %add3A_369 = arith.addf %add3A_351, %unpack3A_367 : vector<16xf32>
        %add3A_370 = arith.addf %add3A_352, %unpack3A_368 : vector<16xf32>
        %scan3A_371 = arith.constant 4 : i32
        %scan3A_372 = arith.addi %scan3A_299, %scan3A_371 : i32
        %get3A_373 = arith.index_cast %scan3A_372 : i32 to index
        %get3A_374 = arith.constant 0 : index
        %get3A_375 = tpu.vector_load %arg7[%get3A_373, %get3A_374] {strides = array<i32>} : memref<200x32xf32, #tpu.memory_space<vmem>>, vector<16xf32>,
        %bitcast3A_376 = vector.bitcast %get3A_375 : vector<16xf32> to vector<32xbf16>
        %unpack3A_377 = tpu.unpack_subelements %bitcast3A_376, 0 {pack_format = #tpu.pack_format<interleaved>} : vector<32xbf16> -> vector<16xf32>
        %unpack3A_378 = tpu.unpack_subelements %bitcast3A_376, 1 {pack_format = #tpu.pack_format<interleaved>} : vector<32xbf16> -> vector<16xf32>
        %add3A_379 = arith.addf %add3A_361, %unpack3A_377 : vector<16xf32>
        %add3A_380 = arith.addf %add3A_362, %unpack3A_378 : vector<16xf32>
        %get3A_381 = arith.index_cast %scan3A_372 : i32 to index
        %get3A_382 = arith.constant 16 : index
        %get3A_383 = tpu.vector_load %arg7[%get3A_381, %get3A_382] {strides = array<i32>} : memref<200x32xf32, #tpu.memory_space<vmem>>, vector<16xf32>,
        %bitcast3A_384 = vector.bitcast %get3A_383 : vector<16xf32> to vector<32xbf16>
        %unpack3A_385 = tpu.unpack_subelements %bitcast3A_384, 0 {pack_format = #tpu.pack_format<interleaved>} : vector<32xbf16> -> vector<16xf32>
        %unpack3A_386 = tpu.unpack_subelements %bitcast3A_384, 1 {pack_format = #tpu.pack_format<interleaved>} : vector<32xbf16> -> vector<16xf32>
        %add3A_387 = arith.addf %add3A_369, %unpack3A_385 : vector<16xf32>
        %add3A_388 = arith.addf %add3A_370, %unpack3A_386 : vector<16xf32>
        %scan3A_389 = arith.constant 5 : i32
        %scan3A_390 = arith.addi %scan3A_299, %scan3A_389 : i32
        %get3A_391 = arith.index_cast %scan3A_390 : i32 to index
        %get3A_392 = arith.constant 0 : index
        %get3A_393 = tpu.vector_load %arg7[%get3A_391, %get3A_392] {strides = array<i32>} : memref<200x32xf32, #tpu.memory_space<vmem>>, vector<16xf32>,
        %bitcast3A_394 = vector.bitcast %get3A_393 : vector<16xf32> to vector<32xbf16>
        %unpack3A_395 = tpu.unpack_subelements %bitcast3A_394, 0 {pack_format = #tpu.pack_format<interleaved>} : vector<32xbf16> -> vector<16xf32>
        %unpack3A_396 = tpu.unpack_subelements %bitcast3A_394, 1 {pack_format = #tpu.pack_format<interleaved>} : vector<32xbf16> -> vector<16xf32>
        %add3A_397 = arith.addf %add3A_379, %unpack3A_395 : vector<16xf32>
        %add3A_398 = arith.addf %add3A_380, %unpack3A_396 : vector<16xf32>
        %get3A_399 = arith.index_cast %scan3A_390 : i32 to index
        %get3A_400 = arith.constant 16 : index
        %get3A_401 = tpu.vector_load %arg7[%get3A_399, %get3A_400] {strides = array<i32>} : memref<200x32xf32, #tpu.memory_space<vmem>>, vector<16xf32>,
        %bitcast3A_402 = vector.bitcast %get3A_401 : vector<16xf32> to vector<32xbf16>
        %unpack3A_403 = tpu.unpack_subelements %bitcast3A_402, 0 {pack_format = #tpu.pack_format<interleaved>} : vector<32xbf16> -> vector<16xf32>
        %unpack3A_404 = tpu.unpack_subelements %bitcast3A_402, 1 {pack_format = #tpu.pack_format<interleaved>} : vector<32xbf16> -> vector<16xf32>
        %add3A_405 = arith.addf %add3A_387, %unpack3A_403 : vector<16xf32>
        %add3A_406 = arith.addf %add3A_388, %unpack3A_404 : vector<16xf32>
        %scan3A_407 = arith.constant 6 : i32
        %scan3A_408 = arith.addi %scan3A_299, %scan3A_407 : i32
        %get3A_409 = arith.index_cast %scan3A_408 : i32 to index
        %get3A_410 = arith.constant 0 : index
        %get3A_411 = tpu.vector_load %arg7[%get3A_409, %get3A_410] {strides = array<i32>} : memref<200x32xf32, #tpu.memory_space<vmem>>, vector<16xf32>,
        %bitcast3A_412 = vector.bitcast %get3A_411 : vector<16xf32> to vector<32xbf16>
        %unpack3A_413 = tpu.unpack_subelements %bitcast3A_412, 0 {pack_format = #tpu.pack_format<interleaved>} : vector<32xbf16> -> vector<16xf32>
        %unpack3A_414 = tpu.unpack_subelements %bitcast3A_412, 1 {pack_format = #tpu.pack_format<interleaved>} : vector<32xbf16> -> vector<16xf32>
        %add3A_415 = arith.addf %add3A_397, %unpack3A_413 : vector<16xf32>
        %add3A_416 = arith.addf %add3A_398, %unpack3A_414 : vector<16xf32>
        %get3A_417 = arith.index_cast %scan3A_408 : i32 to index
        %get3A_418 = arith.constant 16 : index
        %get3A_419 = tpu.vector_load %arg7[%get3A_417, %get3A_418] {strides = array<i32>} : memref<200x32xf32, #tpu.memory_space<vmem>>, vector<16xf32>,
        %bitcast3A_420 = vector.bitcast %get3A_419 : vector<16xf32> to vector<32xbf16>
        %unpack3A_421 = tpu.unpack_subelements %bitcast3A_420, 0 {pack_format = #tpu.pack_format<interleaved>} : vector<32xbf16> -> vector<16xf32>
        %unpack3A_422 = tpu.unpack_subelements %bitcast3A_420, 1 {pack_format = #tpu.pack_format<interleaved>} : vector<32xbf16> -> vector<16xf32>
        %add3A_423 = arith.addf %add3A_405, %unpack3A_421 : vector<16xf32>
        %add3A_424 = arith.addf %add3A_406, %unpack3A_422 : vector<16xf32>
        %scan3A_425 = arith.constant 7 : i32
        %scan3A_426 = arith.addi %scan3A_299, %scan3A_425 : i32
        %get3A_427 = arith.index_cast %scan3A_426 : i32 to index
        %get3A_428 = arith.constant 0 : index
        %get3A_429 = tpu.vector_load %arg7[%get3A_427, %get3A_428] {strides = array<i32>} : memref<200x32xf32, #tpu.memory_space<vmem>>, vector<16xf32>,
        %bitcast3A_430 = vector.bitcast %get3A_429 : vector<16xf32> to vector<32xbf16>
        %unpack3A_431 = tpu.unpack_subelements %bitcast3A_430, 0 {pack_format = #tpu.pack_format<interleaved>} : vector<32xbf16> -> vector<16xf32>
        %unpack3A_432 = tpu.unpack_subelements %bitcast3A_430, 1 {pack_format = #tpu.pack_format<interleaved>} : vector<32xbf16> -> vector<16xf32>
        %add3A_433 = arith.addf %add3A_415, %unpack3A_431 : vector<16xf32>
        %add3A_434 = arith.addf %add3A_416, %unpack3A_432 : vector<16xf32>
        %get3A_435 = arith.index_cast %scan3A_426 : i32 to index
        %get3A_436 = arith.constant 16 : index
        %get3A_437 = tpu.vector_load %arg7[%get3A_435, %get3A_436] {strides = array<i32>} : memref<200x32xf32, #tpu.memory_space<vmem>>, vector<16xf32>,
        %bitcast3A_438 = vector.bitcast %get3A_437 : vector<16xf32> to vector<32xbf16>
        %unpack3A_439 = tpu.unpack_subelements %bitcast3A_438, 0 {pack_format = #tpu.pack_format<interleaved>} : vector<32xbf16> -> vector<16xf32>
        %unpack3A_440 = tpu.unpack_subelements %bitcast3A_438, 1 {pack_format = #tpu.pack_format<interleaved>} : vector<32xbf16> -> vector<16xf32>
        %add3A_441 = arith.addf %add3A_423, %unpack3A_439 : vector<16xf32>
        %add3A_442 = arith.addf %add3A_424, %unpack3A_440 : vector<16xf32>
        scf.yield %add3A_433, %add3A_434, %add3A_441, %add3A_442 : vector<16xf32>, vector<16xf32>, vector<16xf32>, vector<16xf32>
      }
      %scan3A_179 = arith.constant 200 : i32
      %swap3A_180 = arith.index_cast %add3A_140 : i32 to index
      %swap3A_181 = arith.constant 0 : index
      %swap3A_182 = tpu.vector_load %arg10[%swap3A_180, %swap3A_181] {strides = array<i32>} : memref<128x64xf32, #tpu.memory_space<vmem>>, vector<16xf32>,
      tpu.vector_store %arg10[%swap3A_180, %swap3A_181], %scan3A_178#0 {strides = array<i32>} : memref<128x64xf32, #tpu.memory_space<vmem>>, vector<16xf32>,
      %swap3A_183 = arith.index_cast %add3A_140 : i32 to index
      %swap3A_184 = arith.constant 16 : index
      %swap3A_185 = tpu.vector_load %arg10[%swap3A_183, %swap3A_184] {strides = array<i32>} : memref<128x64xf32, #tpu.memory_space<vmem>>, vector<16xf32>,
      tpu.vector_store %arg10[%swap3A_183, %swap3A_184], %scan3A_178#1 {strides = array<i32>} : memref<128x64xf32, #tpu.memory_space<vmem>>, vector<16xf32>,
      %swap3A_186 = arith.index_cast %add3A_140 : i32 to index
      %swap3A_187 = arith.constant 32 : index
      %swap3A_188 = tpu.vector_load %arg10[%swap3A_186, %swap3A_187] {strides = array<i32>} : memref<128x64xf32, #tpu.memory_space<vmem>>, vector<16xf32>,
      tpu.vector_store %arg10[%swap3A_186, %swap3A_187], %scan3A_178#2 {strides = array<i32>} : memref<128x64xf32, #tpu.memory_space<vmem>>, vector<16xf32>,
      %swap3A_189 = arith.index_cast %add3A_140 : i32 to index
      %swap3A_190 = arith.constant 48 : index
      %swap3A_191 = tpu.vector_load %arg10[%swap3A_189, %swap3A_190] {strides = array<i32>} : memref<128x64xf32, #tpu.memory_space<vmem>>, vector<16xf32>,
      tpu.vector_store %arg10[%swap3A_189, %swap3A_190], %scan3A_178#3 {strides = array<i32>} : memref<128x64xf32, #tpu.memory_space<vmem>>, vector<16xf32>,
      %add3A_192 = arith.constant 2 : i32
      %add3A_193 = arith.addi %mul3A_91, %add3A_192 : i32
      %dma_wait3A_194 = arith.constant 0 : i32
      %dma_wait3A_195 = arith.constant 0 : i32
      %dma_wait3A_196 = tpu.memref_slice %arg8[%dma_wait3A_194, %dma_wait3A_195] : memref<200x32xf32, #tpu.memory_space<vmem>> -> memref<104x32xf32, #tpu.memory_space<vmem>>
      %dma_wait3A_197 = arith.constant 0 : i32
      %dma_wait3A_198 = tpu.memref_slice %arg5[%add3A_193, %dma_wait3A_197] : memref<128x200xi32, #tpu.memory_space<vmem>> -> memref<1x104xi32, #tpu.memory_space<vmem>>
      %dma_wait3A_199 = tpu.memref_squeeze %dma_wait3A_198 : memref<1x104xi32, #tpu.memory_space<vmem>> -> memref<104xi32, #tpu.memory_space<vmem>>
      %dma_wait3A_200 = arith.constant 0 : i32
      %dma_wait3A_201 = arith.constant 0 : i32
      %dma_wait3A_202 = tpu.memref_slice %arg3[%dma_wait3A_200, %dma_wait3A_201] : memref<1015808x32xf32, #tpu.memory_space<hbm>> -> memref<1015808x32xf32, #tpu.memory_space<hbm>>
      tpu.wait_indirect_dma semaphore(%arg13 : memref<!tpu.dma_semaphore, #tpu.memory_space<semaphore_mem>>) src(%dma_wait3A_202 : memref<1015808x32xf32, #tpu.memory_space<hbm>>) dst(%dma_wait3A_196 : memref<104x32xf32, #tpu.memory_space<vmem>>)
      %dma_wait3A_203 = arith.constant 104 : i32
      %dma_wait3A_204 = arith.constant 0 : i32
      %dma_wait3A_205 = tpu.memref_slice %arg8[%dma_wait3A_203, %dma_wait3A_204] : memref<200x32xf32, #tpu.memory_space<vmem>> -> memref<96x32xf32, #tpu.memory_space<vmem>>
      %dma_wait3A_206 = arith.constant 104 : i32
      %dma_wait3A_207 = tpu.memref_slice %arg5[%add3A_193, %dma_wait3A_206] : memref<128x200xi32, #tpu.memory_space<vmem>> -> memref<1x96xi32, #tpu.memory_space<vmem>>
      %dma_wait3A_208 = tpu.memref_squeeze %dma_wait3A_207 : memref<1x96xi32, #tpu.memory_space<vmem>> -> memref<96xi32, #tpu.memory_space<vmem>>
      %dma_wait3A_209 = arith.constant 0 : i32
      %dma_wait3A_210 = arith.constant 0 : i32
      %dma_wait3A_211 = tpu.memref_slice %arg3[%dma_wait3A_209, %dma_wait3A_210] : memref<1015808x32xf32, #tpu.memory_space<hbm>> -> memref<1015808x32xf32, #tpu.memory_space<hbm>>
      tpu.wait_indirect_dma semaphore(%arg13 : memref<!tpu.dma_semaphore, #tpu.memory_space<semaphore_mem>>) src(%dma_wait3A_211 : memref<1015808x32xf32, #tpu.memory_space<hbm>>) dst(%dma_wait3A_205 : memref<96x32xf32, #tpu.memory_space<vmem>>)
      %add3A_212 = arith.constant 4 : i32
      %add3A_213 = arith.addi %add3A_193, %add3A_212 : i32
      %lt3A_214 = arith.constant 128 : i32
      %lt3A_215 = arith.cmpi slt, %add3A_213, %lt3A_214 : i32
      %convert_element_type3A_216 = arith.extui %lt3A_215 : i1 to i32
      %cond3A_217 = arith.constant 0 : i32
      %cond3A_218 = arith.cmpi ne, %convert_element_type3A_216, %cond3A_217 : i32
      scf.if %cond3A_218 {
        %add3A_299 = arith.constant 4 : i32
        %add3A_300 = arith.addi %add3A_193, %add3A_299 : i32
        %dma_start3A_301 = arith.constant 0 : i32
        %dma_start3A_302 = arith.constant 0 : i32
        %dma_start3A_303 = tpu.memref_slice %arg8[%dma_start3A_301, %dma_start3A_302] : memref<200x32xf32, #tpu.memory_space<vmem>> -> memref<104x32xf32, #tpu.memory_space<vmem>>
        %dma_start3A_304 = arith.constant 0 : i32
        %dma_start3A_305 = tpu.memref_slice %arg5[%add3A_300, %dma_start3A_304] : memref<128x200xi32, #tpu.memory_space<vmem>> -> memref<1x104xi32, #tpu.memory_space<vmem>>
        %dma_start3A_306 = tpu.memref_squeeze %dma_start3A_305 : memref<1x104xi32, #tpu.memory_space<vmem>> -> memref<104xi32, #tpu.memory_space<vmem>>
        %dma_start3A_307 = arith.constant 0 : i32
        %dma_start3A_308 = arith.constant 0 : i32
        %dma_start3A_309 = tpu.memref_slice %arg3[%dma_start3A_307, %dma_start3A_308] : memref<1015808x32xf32, #tpu.memory_space<hbm>> -> memref<1015808x32xf32, #tpu.memory_space<hbm>>
        tpu.enqueue_indirect_dma source(%dma_start3A_309 : memref<1015808x32xf32, #tpu.memory_space<hbm>>) target(%dma_start3A_303 : memref<104x32xf32, #tpu.memory_space<vmem>>) offsets(%dma_start3A_306 : memref<104xi32, #tpu.memory_space<vmem>>) semaphore(%arg13 : memref<!tpu.dma_semaphore, #tpu.memory_space<semaphore_mem>>)
        %dma_start3A_310 = arith.constant 104 : i32
        %dma_start3A_311 = arith.constant 0 : i32
        %dma_start3A_312 = tpu.memref_slice %arg8[%dma_start3A_310, %dma_start3A_311] : memref<200x32xf32, #tpu.memory_space<vmem>> -> memref<96x32xf32, #tpu.memory_space<vmem>>
        %dma_start3A_313 = arith.constant 104 : i32
        %dma_start3A_314 = tpu.memref_slice %arg5[%add3A_300, %dma_start3A_313] : memref<128x200xi32, #tpu.memory_space<vmem>> -> memref<1x96xi32, #tpu.memory_space<vmem>>
        %dma_start3A_315 = tpu.memref_squeeze %dma_start3A_314 : memref<1x96xi32, #tpu.memory_space<vmem>> -> memref<96xi32, #tpu.memory_space<vmem>>
        %dma_start3A_316 = arith.constant 0 : i32
        %dma_start3A_317 = arith.constant 0 : i32
        %dma_start3A_318 = tpu.memref_slice %arg3[%dma_start3A_316, %dma_start3A_317] : memref<1015808x32xf32, #tpu.memory_space<hbm>> -> memref<1015808x32xf32, #tpu.memory_space<hbm>>
        tpu.enqueue_indirect_dma source(%dma_start3A_318 : memref<1015808x32xf32, #tpu.memory_space<hbm>>) target(%dma_start3A_312 : memref<96x32xf32, #tpu.memory_space<vmem>>) offsets(%dma_start3A_315 : memref<96xi32, #tpu.memory_space<vmem>>) semaphore(%arg13 : memref<!tpu.dma_semaphore, #tpu.memory_space<semaphore_mem>>)
      } else {
      }
      %broadcast_in_dim3A_219 = arith.constant 0.000000e+00 : f32
      %broadcast_in_dim3A_220 = vector.broadcast %broadcast_in_dim3A_219 : f32 to vector<16xf32>
      %broadcast_in_dim3A_221 = arith.constant 0.000000e+00 : f32
      %broadcast_in_dim3A_222 = vector.broadcast %broadcast_in_dim3A_221 : f32 to vector<16xf32>
      %broadcast_in_dim3A_223 = arith.constant 0.000000e+00 : f32
      %broadcast_in_dim3A_224 = vector.broadcast %broadcast_in_dim3A_223 : f32 to vector<16xf32>
      %broadcast_in_dim3A_225 = arith.constant 0.000000e+00 : f32
      %broadcast_in_dim3A_226 = vector.broadcast %broadcast_in_dim3A_225 : f32 to vector<16xf32>
      %scan3A_227 = arith.constant 0 : i32
      %scan3A_228 = arith.constant 200 : i32
      %scan3A_229 = arith.addi %scan3A_227, %scan3A_228 : i32
      %scan3A_230 = arith.constant 8 : i32
      %scan3A_231:4 = scf.for %scan3A_299 = %scan3A_227 to %scan3A_229 step %scan3A_230 iter_args(%scan3A_300 = %broadcast_in_dim3A_220, %scan3A_301 = %broadcast_in_dim3A_222, %scan3A_302 = %broadcast_in_dim3A_224, %scan3A_303 = %broadcast_in_dim3A_226) -> (vector<16xf32>, vector<16xf32>, vector<16xf32>, vector<16xf32>)  : i32 {
        %get3A = arith.index_cast %scan3A_299 : i32 to index
        %get3A_304 = arith.constant 0 : index
        %get3A_305 = tpu.vector_load %arg8[%get3A, %get3A_304] {strides = array<i32>} : memref<200x32xf32, #tpu.memory_space<vmem>>, vector<16xf32>,
        %bitcast3A = vector.bitcast %get3A_305 : vector<16xf32> to vector<32xbf16>
        %unpack3A = tpu.unpack_subelements %bitcast3A, 0 {pack_format = #tpu.pack_format<interleaved>} : vector<32xbf16> -> vector<16xf32>
        %unpack3A_306 = tpu.unpack_subelements %bitcast3A, 1 {pack_format = #tpu.pack_format<interleaved>} : vector<32xbf16> -> vector<16xf32>
        %add3A_307 = arith.addf %scan3A_300, %unpack3A : vector<16xf32>
        %add3A_308 = arith.addf %scan3A_301, %unpack3A_306 : vector<16xf32>
        %get3A_309 = arith.index_cast %scan3A_299 : i32 to index
        %get3A_310 = arith.constant 16 : index
        %get3A_311 = tpu.vector_load %arg8[%get3A_309, %get3A_310] {strides = array<i32>} : memref<200x32xf32, #tpu.memory_space<vmem>>, vector<16xf32>,
        %bitcast3A_312 = vector.bitcast %get3A_311 : vector<16xf32> to vector<32xbf16>
        %unpack3A_313 = tpu.unpack_subelements %bitcast3A_312, 0 {pack_format = #tpu.pack_format<interleaved>} : vector<32xbf16> -> vector<16xf32>
        %unpack3A_314 = tpu.unpack_subelements %bitcast3A_312, 1 {pack_format = #tpu.pack_format<interleaved>} : vector<32xbf16> -> vector<16xf32>
        %add3A_315 = arith.addf %scan3A_302, %unpack3A_313 : vector<16xf32>
        %add3A_316 = arith.addf %scan3A_303, %unpack3A_314 : vector<16xf32>
        %scan3A_317 = arith.constant 1 : i32
        %scan3A_318 = arith.addi %scan3A_299, %scan3A_317 : i32
        %get3A_319 = arith.index_cast %scan3A_318 : i32 to index
        %get3A_320 = arith.constant 0 : index
        %get3A_321 = tpu.vector_load %arg8[%get3A_319, %get3A_320] {strides = array<i32>} : memref<200x32xf32, #tpu.memory_space<vmem>>, vector<16xf32>,
        %bitcast3A_322 = vector.bitcast %get3A_321 : vector<16xf32> to vector<32xbf16>
        %unpack3A_323 = tpu.unpack_subelements %bitcast3A_322, 0 {pack_format = #tpu.pack_format<interleaved>} : vector<32xbf16> -> vector<16xf32>
        %unpack3A_324 = tpu.unpack_subelements %bitcast3A_322, 1 {pack_format = #tpu.pack_format<interleaved>} : vector<32xbf16> -> vector<16xf32>
        %add3A_325 = arith.addf %add3A_307, %unpack3A_323 : vector<16xf32>
        %add3A_326 = arith.addf %add3A_308, %unpack3A_324 : vector<16xf32>
        %get3A_327 = arith.index_cast %scan3A_318 : i32 to index
        %get3A_328 = arith.constant 16 : index
        %get3A_329 = tpu.vector_load %arg8[%get3A_327, %get3A_328] {strides = array<i32>} : memref<200x32xf32, #tpu.memory_space<vmem>>, vector<16xf32>,
        %bitcast3A_330 = vector.bitcast %get3A_329 : vector<16xf32> to vector<32xbf16>
        %unpack3A_331 = tpu.unpack_subelements %bitcast3A_330, 0 {pack_format = #tpu.pack_format<interleaved>} : vector<32xbf16> -> vector<16xf32>
        %unpack3A_332 = tpu.unpack_subelements %bitcast3A_330, 1 {pack_format = #tpu.pack_format<interleaved>} : vector<32xbf16> -> vector<16xf32>
        %add3A_333 = arith.addf %add3A_315, %unpack3A_331 : vector<16xf32>
        %add3A_334 = arith.addf %add3A_316, %unpack3A_332 : vector<16xf32>
        %scan3A_335 = arith.constant 2 : i32
        %scan3A_336 = arith.addi %scan3A_299, %scan3A_335 : i32
        %get3A_337 = arith.index_cast %scan3A_336 : i32 to index
        %get3A_338 = arith.constant 0 : index
        %get3A_339 = tpu.vector_load %arg8[%get3A_337, %get3A_338] {strides = array<i32>} : memref<200x32xf32, #tpu.memory_space<vmem>>, vector<16xf32>,
        %bitcast3A_340 = vector.bitcast %get3A_339 : vector<16xf32> to vector<32xbf16>
        %unpack3A_341 = tpu.unpack_subelements %bitcast3A_340, 0 {pack_format = #tpu.pack_format<interleaved>} : vector<32xbf16> -> vector<16xf32>
        %unpack3A_342 = tpu.unpack_subelements %bitcast3A_340, 1 {pack_format = #tpu.pack_format<interleaved>} : vector<32xbf16> -> vector<16xf32>
        %add3A_343 = arith.addf %add3A_325, %unpack3A_341 : vector<16xf32>
        %add3A_344 = arith.addf %add3A_326, %unpack3A_342 : vector<16xf32>
        %get3A_345 = arith.index_cast %scan3A_336 : i32 to index
        %get3A_346 = arith.constant 16 : index
        %get3A_347 = tpu.vector_load %arg8[%get3A_345, %get3A_346] {strides = array<i32>} : memref<200x32xf32, #tpu.memory_space<vmem>>, vector<16xf32>,
        %bitcast3A_348 = vector.bitcast %get3A_347 : vector<16xf32> to vector<32xbf16>
        %unpack3A_349 = tpu.unpack_subelements %bitcast3A_348, 0 {pack_format = #tpu.pack_format<interleaved>} : vector<32xbf16> -> vector<16xf32>
        %unpack3A_350 = tpu.unpack_subelements %bitcast3A_348, 1 {pack_format = #tpu.pack_format<interleaved>} : vector<32xbf16> -> vector<16xf32>
        %add3A_351 = arith.addf %add3A_333, %unpack3A_349 : vector<16xf32>
        %add3A_352 = arith.addf %add3A_334, %unpack3A_350 : vector<16xf32>
        %scan3A_353 = arith.constant 3 : i32
        %scan3A_354 = arith.addi %scan3A_299, %scan3A_353 : i32
        %get3A_355 = arith.index_cast %scan3A_354 : i32 to index
        %get3A_356 = arith.constant 0 : index
        %get3A_357 = tpu.vector_load %arg8[%get3A_355, %get3A_356] {strides = array<i32>} : memref<200x32xf32, #tpu.memory_space<vmem>>, vector<16xf32>,
        %bitcast3A_358 = vector.bitcast %get3A_357 : vector<16xf32> to vector<32xbf16>
        %unpack3A_359 = tpu.unpack_subelements %bitcast3A_358, 0 {pack_format = #tpu.pack_format<interleaved>} : vector<32xbf16> -> vector<16xf32>
        %unpack3A_360 = tpu.unpack_subelements %bitcast3A_358, 1 {pack_format = #tpu.pack_format<interleaved>} : vector<32xbf16> -> vector<16xf32>
        %add3A_361 = arith.addf %add3A_343, %unpack3A_359 : vector<16xf32>
        %add3A_362 = arith.addf %add3A_344, %unpack3A_360 : vector<16xf32>
        %get3A_363 = arith.index_cast %scan3A_354 : i32 to index
        %get3A_364 = arith.constant 16 : index
        %get3A_365 = tpu.vector_load %arg8[%get3A_363, %get3A_364] {strides = array<i32>} : memref<200x32xf32, #tpu.memory_space<vmem>>, vector<16xf32>,
        %bitcast3A_366 = vector.bitcast %get3A_365 : vector<16xf32> to vector<32xbf16>
        %unpack3A_367 = tpu.unpack_subelements %bitcast3A_366, 0 {pack_format = #tpu.pack_format<interleaved>} : vector<32xbf16> -> vector<16xf32>
        %unpack3A_368 = tpu.unpack_subelements %bitcast3A_366, 1 {pack_format = #tpu.pack_format<interleaved>} : vector<32xbf16> -> vector<16xf32>
        %add3A_369 = arith.addf %add3A_351, %unpack3A_367 : vector<16xf32>
        %add3A_370 = arith.addf %add3A_352, %unpack3A_368 : vector<16xf32>
        %scan3A_371 = arith.constant 4 : i32
        %scan3A_372 = arith.addi %scan3A_299, %scan3A_371 : i32
        %get3A_373 = arith.index_cast %scan3A_372 : i32 to index
        %get3A_374 = arith.constant 0 : index
        %get3A_375 = tpu.vector_load %arg8[%get3A_373, %get3A_374] {strides = array<i32>} : memref<200x32xf32, #tpu.memory_space<vmem>>, vector<16xf32>,
        %bitcast3A_376 = vector.bitcast %get3A_375 : vector<16xf32> to vector<32xbf16>
        %unpack3A_377 = tpu.unpack_subelements %bitcast3A_376, 0 {pack_format = #tpu.pack_format<interleaved>} : vector<32xbf16> -> vector<16xf32>
        %unpack3A_378 = tpu.unpack_subelements %bitcast3A_376, 1 {pack_format = #tpu.pack_format<interleaved>} : vector<32xbf16> -> vector<16xf32>
        %add3A_379 = arith.addf %add3A_361, %unpack3A_377 : vector<16xf32>
        %add3A_380 = arith.addf %add3A_362, %unpack3A_378 : vector<16xf32>
        %get3A_381 = arith.index_cast %scan3A_372 : i32 to index
        %get3A_382 = arith.constant 16 : index
        %get3A_383 = tpu.vector_load %arg8[%get3A_381, %get3A_382] {strides = array<i32>} : memref<200x32xf32, #tpu.memory_space<vmem>>, vector<16xf32>,
        %bitcast3A_384 = vector.bitcast %get3A_383 : vector<16xf32> to vector<32xbf16>
        %unpack3A_385 = tpu.unpack_subelements %bitcast3A_384, 0 {pack_format = #tpu.pack_format<interleaved>} : vector<32xbf16> -> vector<16xf32>
        %unpack3A_386 = tpu.unpack_subelements %bitcast3A_384, 1 {pack_format = #tpu.pack_format<interleaved>} : vector<32xbf16> -> vector<16xf32>
        %add3A_387 = arith.addf %add3A_369, %unpack3A_385 : vector<16xf32>
        %add3A_388 = arith.addf %add3A_370, %unpack3A_386 : vector<16xf32>
        %scan3A_389 = arith.constant 5 : i32
        %scan3A_390 = arith.addi %scan3A_299, %scan3A_389 : i32
        %get3A_391 = arith.index_cast %scan3A_390 : i32 to index
        %get3A_392 = arith.constant 0 : index
        %get3A_393 = tpu.vector_load %arg8[%get3A_391, %get3A_392] {strides = array<i32>} : memref<200x32xf32, #tpu.memory_space<vmem>>, vector<16xf32>,
        %bitcast3A_394 = vector.bitcast %get3A_393 : vector<16xf32> to vector<32xbf16>
        %unpack3A_395 = tpu.unpack_subelements %bitcast3A_394, 0 {pack_format = #tpu.pack_format<interleaved>} : vector<32xbf16> -> vector<16xf32>
        %unpack3A_396 = tpu.unpack_subelements %bitcast3A_394, 1 {pack_format = #tpu.pack_format<interleaved>} : vector<32xbf16> -> vector<16xf32>
        %add3A_397 = arith.addf %add3A_379, %unpack3A_395 : vector<16xf32>
        %add3A_398 = arith.addf %add3A_380, %unpack3A_396 : vector<16xf32>
        %get3A_399 = arith.index_cast %scan3A_390 : i32 to index
        %get3A_400 = arith.constant 16 : index
        %get3A_401 = tpu.vector_load %arg8[%get3A_399, %get3A_400] {strides = array<i32>} : memref<200x32xf32, #tpu.memory_space<vmem>>, vector<16xf32>,
        %bitcast3A_402 = vector.bitcast %get3A_401 : vector<16xf32> to vector<32xbf16>
        %unpack3A_403 = tpu.unpack_subelements %bitcast3A_402, 0 {pack_format = #tpu.pack_format<interleaved>} : vector<32xbf16> -> vector<16xf32>
        %unpack3A_404 = tpu.unpack_subelements %bitcast3A_402, 1 {pack_format = #tpu.pack_format<interleaved>} : vector<32xbf16> -> vector<16xf32>
        %add3A_405 = arith.addf %add3A_387, %unpack3A_403 : vector<16xf32>
        %add3A_406 = arith.addf %add3A_388, %unpack3A_404 : vector<16xf32>
        %scan3A_407 = arith.constant 6 : i32
        %scan3A_408 = arith.addi %scan3A_299, %scan3A_407 : i32
        %get3A_409 = arith.index_cast %scan3A_408 : i32 to index
        %get3A_410 = arith.constant 0 : index
        %get3A_411 = tpu.vector_load %arg8[%get3A_409, %get3A_410] {strides = array<i32>} : memref<200x32xf32, #tpu.memory_space<vmem>>, vector<16xf32>,
        %bitcast3A_412 = vector.bitcast %get3A_411 : vector<16xf32> to vector<32xbf16>
        %unpack3A_413 = tpu.unpack_subelements %bitcast3A_412, 0 {pack_format = #tpu.pack_format<interleaved>} : vector<32xbf16> -> vector<16xf32>
        %unpack3A_414 = tpu.unpack_subelements %bitcast3A_412, 1 {pack_format = #tpu.pack_format<interleaved>} : vector<32xbf16> -> vector<16xf32>
        %add3A_415 = arith.addf %add3A_397, %unpack3A_413 : vector<16xf32>
        %add3A_416 = arith.addf %add3A_398, %unpack3A_414 : vector<16xf32>
        %get3A_417 = arith.index_cast %scan3A_408 : i32 to index
        %get3A_418 = arith.constant 16 : index
        %get3A_419 = tpu.vector_load %arg8[%get3A_417, %get3A_418] {strides = array<i32>} : memref<200x32xf32, #tpu.memory_space<vmem>>, vector<16xf32>,
        %bitcast3A_420 = vector.bitcast %get3A_419 : vector<16xf32> to vector<32xbf16>
        %unpack3A_421 = tpu.unpack_subelements %bitcast3A_420, 0 {pack_format = #tpu.pack_format<interleaved>} : vector<32xbf16> -> vector<16xf32>
        %unpack3A_422 = tpu.unpack_subelements %bitcast3A_420, 1 {pack_format = #tpu.pack_format<interleaved>} : vector<32xbf16> -> vector<16xf32>
        %add3A_423 = arith.addf %add3A_405, %unpack3A_421 : vector<16xf32>
        %add3A_424 = arith.addf %add3A_406, %unpack3A_422 : vector<16xf32>
        %scan3A_425 = arith.constant 7 : i32
        %scan3A_426 = arith.addi %scan3A_299, %scan3A_425 : i32
        %get3A_427 = arith.index_cast %scan3A_426 : i32 to index
        %get3A_428 = arith.constant 0 : index
        %get3A_429 = tpu.vector_load %arg8[%get3A_427, %get3A_428] {strides = array<i32>} : memref<200x32xf32, #tpu.memory_space<vmem>>, vector<16xf32>,
        %bitcast3A_430 = vector.bitcast %get3A_429 : vector<16xf32> to vector<32xbf16>
        %unpack3A_431 = tpu.unpack_subelements %bitcast3A_430, 0 {pack_format = #tpu.pack_format<interleaved>} : vector<32xbf16> -> vector<16xf32>
        %unpack3A_432 = tpu.unpack_subelements %bitcast3A_430, 1 {pack_format = #tpu.pack_format<interleaved>} : vector<32xbf16> -> vector<16xf32>
        %add3A_433 = arith.addf %add3A_415, %unpack3A_431 : vector<16xf32>
        %add3A_434 = arith.addf %add3A_416, %unpack3A_432 : vector<16xf32>
        %get3A_435 = arith.index_cast %scan3A_426 : i32 to index
        %get3A_436 = arith.constant 16 : index
        %get3A_437 = tpu.vector_load %arg8[%get3A_435, %get3A_436] {strides = array<i32>} : memref<200x32xf32, #tpu.memory_space<vmem>>, vector<16xf32>,
        %bitcast3A_438 = vector.bitcast %get3A_437 : vector<16xf32> to vector<32xbf16>
        %unpack3A_439 = tpu.unpack_subelements %bitcast3A_438, 0 {pack_format = #tpu.pack_format<interleaved>} : vector<32xbf16> -> vector<16xf32>
        %unpack3A_440 = tpu.unpack_subelements %bitcast3A_438, 1 {pack_format = #tpu.pack_format<interleaved>} : vector<32xbf16> -> vector<16xf32>
        %add3A_441 = arith.addf %add3A_423, %unpack3A_439 : vector<16xf32>
        %add3A_442 = arith.addf %add3A_424, %unpack3A_440 : vector<16xf32>
        scf.yield %add3A_433, %add3A_434, %add3A_441, %add3A_442 : vector<16xf32>, vector<16xf32>, vector<16xf32>, vector<16xf32>
      }
      %scan3A_232 = arith.constant 200 : i32
      %swap3A_233 = arith.index_cast %add3A_193 : i32 to index
      %swap3A_234 = arith.constant 0 : index
      %swap3A_235 = tpu.vector_load %arg10[%swap3A_233, %swap3A_234] {strides = array<i32>} : memref<128x64xf32, #tpu.memory_space<vmem>>, vector<16xf32>,
      tpu.vector_store %arg10[%swap3A_233, %swap3A_234], %scan3A_231#0 {strides = array<i32>} : memref<128x64xf32, #tpu.memory_space<vmem>>, vector<16xf32>,
      %swap3A_236 = arith.index_cast %add3A_193 : i32 to index
      %swap3A_237 = arith.constant 16 : index
      %swap3A_238 = tpu.vector_load %arg10[%swap3A_236, %swap3A_237] {strides = array<i32>} : memref<128x64xf32, #tpu.memory_space<vmem>>, vector<16xf32>,
      tpu.vector_store %arg10[%swap3A_236, %swap3A_237], %scan3A_231#1 {strides = array<i32>} : memref<128x64xf32, #tpu.memory_space<vmem>>, vector<16xf32>,
      %swap3A_239 = arith.index_cast %add3A_193 : i32 to index
      %swap3A_240 = arith.constant 32 : index
      %swap3A_241 = tpu.vector_load %arg10[%swap3A_239, %swap3A_240] {strides = array<i32>} : memref<128x64xf32, #tpu.memory_space<vmem>>, vector<16xf32>,
      tpu.vector_store %arg10[%swap3A_239, %swap3A_240], %scan3A_231#2 {strides = array<i32>} : memref<128x64xf32, #tpu.memory_space<vmem>>, vector<16xf32>,
      %swap3A_242 = arith.index_cast %add3A_193 : i32 to index
      %swap3A_243 = arith.constant 48 : index
      %swap3A_244 = tpu.vector_load %arg10[%swap3A_242, %swap3A_243] {strides = array<i32>} : memref<128x64xf32, #tpu.memory_space<vmem>>, vector<16xf32>,
      tpu.vector_store %arg10[%swap3A_242, %swap3A_243], %scan3A_231#3 {strides = array<i32>} : memref<128x64xf32, #tpu.memory_space<vmem>>, vector<16xf32>,
      %add3A_245 = arith.constant 3 : i32
      %add3A_246 = arith.addi %mul3A_91, %add3A_245 : i32
      %dma_wait3A_247 = arith.constant 0 : i32
      %dma_wait3A_248 = arith.constant 0 : i32
      %dma_wait3A_249 = tpu.memref_slice %arg9[%dma_wait3A_247, %dma_wait3A_248] : memref<200x32xf32, #tpu.memory_space<vmem>> -> memref<104x32xf32, #tpu.memory_space<vmem>>
      %dma_wait3A_250 = arith.constant 0 : i32
      %dma_wait3A_251 = tpu.memref_slice %arg5[%add3A_246, %dma_wait3A_250] : memref<128x200xi32, #tpu.memory_space<vmem>> -> memref<1x104xi32, #tpu.memory_space<vmem>>
      %dma_wait3A_252 = tpu.memref_squeeze %dma_wait3A_251 : memref<1x104xi32, #tpu.memory_space<vmem>> -> memref<104xi32, #tpu.memory_space<vmem>>
      %dma_wait3A_253 = arith.constant 0 : i32
      %dma_wait3A_254 = arith.constant 0 : i32
      %dma_wait3A_255 = tpu.memref_slice %arg3[%dma_wait3A_253, %dma_wait3A_254] : memref<1015808x32xf32, #tpu.memory_space<hbm>> -> memref<1015808x32xf32, #tpu.memory_space<hbm>>
      tpu.wait_indirect_dma semaphore(%arg14 : memref<!tpu.dma_semaphore, #tpu.memory_space<semaphore_mem>>) src(%dma_wait3A_255 : memref<1015808x32xf32, #tpu.memory_space<hbm>>) dst(%dma_wait3A_249 : memref<104x32xf32, #tpu.memory_space<vmem>>)
      %dma_wait3A_256 = arith.constant 104 : i32
      %dma_wait3A_257 = arith.constant 0 : i32
      %dma_wait3A_258 = tpu.memref_slice %arg9[%dma_wait3A_256, %dma_wait3A_257] : memref<200x32xf32, #tpu.memory_space<vmem>> -> memref<96x32xf32, #tpu.memory_space<vmem>>
      %dma_wait3A_259 = arith.constant 104 : i32
      %dma_wait3A_260 = tpu.memref_slice %arg5[%add3A_246, %dma_wait3A_259] : memref<128x200xi32, #tpu.memory_space<vmem>> -> memref<1x96xi32, #tpu.memory_space<vmem>>
      %dma_wait3A_261 = tpu.memref_squeeze %dma_wait3A_260 : memref<1x96xi32, #tpu.memory_space<vmem>> -> memref<96xi32, #tpu.memory_space<vmem>>
      %dma_wait3A_262 = arith.constant 0 : i32
      %dma_wait3A_263 = arith.constant 0 : i32
      %dma_wait3A_264 = tpu.memref_slice %arg3[%dma_wait3A_262, %dma_wait3A_263] : memref<1015808x32xf32, #tpu.memory_space<hbm>> -> memref<1015808x32xf32, #tpu.memory_space<hbm>>
      tpu.wait_indirect_dma semaphore(%arg14 : memref<!tpu.dma_semaphore, #tpu.memory_space<semaphore_mem>>) src(%dma_wait3A_264 : memref<1015808x32xf32, #tpu.memory_space<hbm>>) dst(%dma_wait3A_258 : memref<96x32xf32, #tpu.memory_space<vmem>>)
      %add3A_265 = arith.constant 4 : i32
      %add3A_266 = arith.addi %add3A_246, %add3A_265 : i32
      %lt3A_267 = arith.constant 128 : i32
      %lt3A_268 = arith.cmpi slt, %add3A_266, %lt3A_267 : i32
      %convert_element_type3A_269 = arith.extui %lt3A_268 : i1 to i32
      %cond3A_270 = arith.constant 0 : i32
      %cond3A_271 = arith.cmpi ne, %convert_element_type3A_269, %cond3A_270 : i32
      scf.if %cond3A_271 {
        %add3A_299 = arith.constant 4 : i32
        %add3A_300 = arith.addi %add3A_246, %add3A_299 : i32
        %dma_start3A_301 = arith.constant 0 : i32
        %dma_start3A_302 = arith.constant 0 : i32
        %dma_start3A_303 = tpu.memref_slice %arg9[%dma_start3A_301, %dma_start3A_302] : memref<200x32xf32, #tpu.memory_space<vmem>> -> memref<104x32xf32, #tpu.memory_space<vmem>>
        %dma_start3A_304 = arith.constant 0 : i32
        %dma_start3A_305 = tpu.memref_slice %arg5[%add3A_300, %dma_start3A_304] : memref<128x200xi32, #tpu.memory_space<vmem>> -> memref<1x104xi32, #tpu.memory_space<vmem>>
        %dma_start3A_306 = tpu.memref_squeeze %dma_start3A_305 : memref<1x104xi32, #tpu.memory_space<vmem>> -> memref<104xi32, #tpu.memory_space<vmem>>
        %dma_start3A_307 = arith.constant 0 : i32
        %dma_start3A_308 = arith.constant 0 : i32
        %dma_start3A_309 = tpu.memref_slice %arg3[%dma_start3A_307, %dma_start3A_308] : memref<1015808x32xf32, #tpu.memory_space<hbm>> -> memref<1015808x32xf32, #tpu.memory_space<hbm>>
        tpu.enqueue_indirect_dma source(%dma_start3A_309 : memref<1015808x32xf32, #tpu.memory_space<hbm>>) target(%dma_start3A_303 : memref<104x32xf32, #tpu.memory_space<vmem>>) offsets(%dma_start3A_306 : memref<104xi32, #tpu.memory_space<vmem>>) semaphore(%arg14 : memref<!tpu.dma_semaphore, #tpu.memory_space<semaphore_mem>>)
        %dma_start3A_310 = arith.constant 104 : i32
        %dma_start3A_311 = arith.constant 0 : i32
        %dma_start3A_312 = tpu.memref_slice %arg9[%dma_start3A_310, %dma_start3A_311] : memref<200x32xf32, #tpu.memory_space<vmem>> -> memref<96x32xf32, #tpu.memory_space<vmem>>
        %dma_start3A_313 = arith.constant 104 : i32
        %dma_start3A_314 = tpu.memref_slice %arg5[%add3A_300, %dma_start3A_313] : memref<128x200xi32, #tpu.memory_space<vmem>> -> memref<1x96xi32, #tpu.memory_space<vmem>>
        %dma_start3A_315 = tpu.memref_squeeze %dma_start3A_314 : memref<1x96xi32, #tpu.memory_space<vmem>> -> memref<96xi32, #tpu.memory_space<vmem>>
        %dma_start3A_316 = arith.constant 0 : i32
        %dma_start3A_317 = arith.constant 0 : i32
        %dma_start3A_318 = tpu.memref_slice %arg3[%dma_start3A_316, %dma_start3A_317] : memref<1015808x32xf32, #tpu.memory_space<hbm>> -> memref<1015808x32xf32, #tpu.memory_space<hbm>>
        tpu.enqueue_indirect_dma source(%dma_start3A_318 : memref<1015808x32xf32, #tpu.memory_space<hbm>>) target(%dma_start3A_312 : memref<96x32xf32, #tpu.memory_space<vmem>>) offsets(%dma_start3A_315 : memref<96xi32, #tpu.memory_space<vmem>>) semaphore(%arg14 : memref<!tpu.dma_semaphore, #tpu.memory_space<semaphore_mem>>)
      } else {
      }
      %broadcast_in_dim3A_272 = arith.constant 0.000000e+00 : f32
      %broadcast_in_dim3A_273 = vector.broadcast %broadcast_in_dim3A_272 : f32 to vector<16xf32>
      %broadcast_in_dim3A_274 = arith.constant 0.000000e+00 : f32
      %broadcast_in_dim3A_275 = vector.broadcast %broadcast_in_dim3A_274 : f32 to vector<16xf32>
      %broadcast_in_dim3A_276 = arith.constant 0.000000e+00 : f32
      %broadcast_in_dim3A_277 = vector.broadcast %broadcast_in_dim3A_276 : f32 to vector<16xf32>
      %broadcast_in_dim3A_278 = arith.constant 0.000000e+00 : f32
      %broadcast_in_dim3A_279 = vector.broadcast %broadcast_in_dim3A_278 : f32 to vector<16xf32>
      %scan3A_280 = arith.constant 0 : i32
      %scan3A_281 = arith.constant 200 : i32
      %scan3A_282 = arith.addi %scan3A_280, %scan3A_281 : i32
      %scan3A_283 = arith.constant 8 : i32
      %scan3A_284:4 = scf.for %scan3A_299 = %scan3A_280 to %scan3A_282 step %scan3A_283 iter_args(%scan3A_300 = %broadcast_in_dim3A_273, %scan3A_301 = %broadcast_in_dim3A_275, %scan3A_302 = %broadcast_in_dim3A_277, %scan3A_303 = %broadcast_in_dim3A_279) -> (vector<16xf32>, vector<16xf32>, vector<16xf32>, vector<16xf32>)  : i32 {
        %get3A = arith.index_cast %scan3A_299 : i32 to index
        %get3A_304 = arith.constant 0 : index
        %get3A_305 = tpu.vector_load %arg9[%get3A, %get3A_304] {strides = array<i32>} : memref<200x32xf32, #tpu.memory_space<vmem>>, vector<16xf32>,
        %bitcast3A = vector.bitcast %get3A_305 : vector<16xf32> to vector<32xbf16>
        %unpack3A = tpu.unpack_subelements %bitcast3A, 0 {pack_format = #tpu.pack_format<interleaved>} : vector<32xbf16> -> vector<16xf32>
        %unpack3A_306 = tpu.unpack_subelements %bitcast3A, 1 {pack_format = #tpu.pack_format<interleaved>} : vector<32xbf16> -> vector<16xf32>
        %add3A_307 = arith.addf %scan3A_300, %unpack3A : vector<16xf32>
        %add3A_308 = arith.addf %scan3A_301, %unpack3A_306 : vector<16xf32>
        %get3A_309 = arith.index_cast %scan3A_299 : i32 to index
        %get3A_310 = arith.constant 16 : index
        %get3A_311 = tpu.vector_load %arg9[%get3A_309, %get3A_310] {strides = array<i32>} : memref<200x32xf32, #tpu.memory_space<vmem>>, vector<16xf32>,
        %bitcast3A_312 = vector.bitcast %get3A_311 : vector<16xf32> to vector<32xbf16>
        %unpack3A_313 = tpu.unpack_subelements %bitcast3A_312, 0 {pack_format = #tpu.pack_format<interleaved>} : vector<32xbf16> -> vector<16xf32>
        %unpack3A_314 = tpu.unpack_subelements %bitcast3A_312, 1 {pack_format = #tpu.pack_format<interleaved>} : vector<32xbf16> -> vector<16xf32>
        %add3A_315 = arith.addf %scan3A_302, %unpack3A_313 : vector<16xf32>
        %add3A_316 = arith.addf %scan3A_303, %unpack3A_314 : vector<16xf32>
        %scan3A_317 = arith.constant 1 : i32
        %scan3A_318 = arith.addi %scan3A_299, %scan3A_317 : i32
        %get3A_319 = arith.index_cast %scan3A_318 : i32 to index
        %get3A_320 = arith.constant 0 : index
        %get3A_321 = tpu.vector_load %arg9[%get3A_319, %get3A_320] {strides = array<i32>} : memref<200x32xf32, #tpu.memory_space<vmem>>, vector<16xf32>,
        %bitcast3A_322 = vector.bitcast %get3A_321 : vector<16xf32> to vector<32xbf16>
        %unpack3A_323 = tpu.unpack_subelements %bitcast3A_322, 0 {pack_format = #tpu.pack_format<interleaved>} : vector<32xbf16> -> vector<16xf32>
        %unpack3A_324 = tpu.unpack_subelements %bitcast3A_322, 1 {pack_format = #tpu.pack_format<interleaved>} : vector<32xbf16> -> vector<16xf32>
        %add3A_325 = arith.addf %add3A_307, %unpack3A_323 : vector<16xf32>
        %add3A_326 = arith.addf %add3A_308, %unpack3A_324 : vector<16xf32>
        %get3A_327 = arith.index_cast %scan3A_318 : i32 to index
        %get3A_328 = arith.constant 16 : index
        %get3A_329 = tpu.vector_load %arg9[%get3A_327, %get3A_328] {strides = array<i32>} : memref<200x32xf32, #tpu.memory_space<vmem>>, vector<16xf32>,
        %bitcast3A_330 = vector.bitcast %get3A_329 : vector<16xf32> to vector<32xbf16>
        %unpack3A_331 = tpu.unpack_subelements %bitcast3A_330, 0 {pack_format = #tpu.pack_format<interleaved>} : vector<32xbf16> -> vector<16xf32>
        %unpack3A_332 = tpu.unpack_subelements %bitcast3A_330, 1 {pack_format = #tpu.pack_format<interleaved>} : vector<32xbf16> -> vector<16xf32>
        %add3A_333 = arith.addf %add3A_315, %unpack3A_331 : vector<16xf32>
        %add3A_334 = arith.addf %add3A_316, %unpack3A_332 : vector<16xf32>
        %scan3A_335 = arith.constant 2 : i32
        %scan3A_336 = arith.addi %scan3A_299, %scan3A_335 : i32
        %get3A_337 = arith.index_cast %scan3A_336 : i32 to index
        %get3A_338 = arith.constant 0 : index
        %get3A_339 = tpu.vector_load %arg9[%get3A_337, %get3A_338] {strides = array<i32>} : memref<200x32xf32, #tpu.memory_space<vmem>>, vector<16xf32>,
        %bitcast3A_340 = vector.bitcast %get3A_339 : vector<16xf32> to vector<32xbf16>
        %unpack3A_341 = tpu.unpack_subelements %bitcast3A_340, 0 {pack_format = #tpu.pack_format<interleaved>} : vector<32xbf16> -> vector<16xf32>
        %unpack3A_342 = tpu.unpack_subelements %bitcast3A_340, 1 {pack_format = #tpu.pack_format<interleaved>} : vector<32xbf16> -> vector<16xf32>
        %add3A_343 = arith.addf %add3A_325, %unpack3A_341 : vector<16xf32>
        %add3A_344 = arith.addf %add3A_326, %unpack3A_342 : vector<16xf32>
        %get3A_345 = arith.index_cast %scan3A_336 : i32 to index
        %get3A_346 = arith.constant 16 : index
        %get3A_347 = tpu.vector_load %arg9[%get3A_345, %get3A_346] {strides = array<i32>} : memref<200x32xf32, #tpu.memory_space<vmem>>, vector<16xf32>,
        %bitcast3A_348 = vector.bitcast %get3A_347 : vector<16xf32> to vector<32xbf16>
        %unpack3A_349 = tpu.unpack_subelements %bitcast3A_348, 0 {pack_format = #tpu.pack_format<interleaved>} : vector<32xbf16> -> vector<16xf32>
        %unpack3A_350 = tpu.unpack_subelements %bitcast3A_348, 1 {pack_format = #tpu.pack_format<interleaved>} : vector<32xbf16> -> vector<16xf32>
        %add3A_351 = arith.addf %add3A_333, %unpack3A_349 : vector<16xf32>
        %add3A_352 = arith.addf %add3A_334, %unpack3A_350 : vector<16xf32>
        %scan3A_353 = arith.constant 3 : i32
        %scan3A_354 = arith.addi %scan3A_299, %scan3A_353 : i32
        %get3A_355 = arith.index_cast %scan3A_354 : i32 to index
        %get3A_356 = arith.constant 0 : index
        %get3A_357 = tpu.vector_load %arg9[%get3A_355, %get3A_356] {strides = array<i32>} : memref<200x32xf32, #tpu.memory_space<vmem>>, vector<16xf32>,
        %bitcast3A_358 = vector.bitcast %get3A_357 : vector<16xf32> to vector<32xbf16>
        %unpack3A_359 = tpu.unpack_subelements %bitcast3A_358, 0 {pack_format = #tpu.pack_format<interleaved>} : vector<32xbf16> -> vector<16xf32>
        %unpack3A_360 = tpu.unpack_subelements %bitcast3A_358, 1 {pack_format = #tpu.pack_format<interleaved>} : vector<32xbf16> -> vector<16xf32>
        %add3A_361 = arith.addf %add3A_343, %unpack3A_359 : vector<16xf32>
        %add3A_362 = arith.addf %add3A_344, %unpack3A_360 : vector<16xf32>
        %get3A_363 = arith.index_cast %scan3A_354 : i32 to index
        %get3A_364 = arith.constant 16 : index
        %get3A_365 = tpu.vector_load %arg9[%get3A_363, %get3A_364] {strides = array<i32>} : memref<200x32xf32, #tpu.memory_space<vmem>>, vector<16xf32>,
        %bitcast3A_366 = vector.bitcast %get3A_365 : vector<16xf32> to vector<32xbf16>
        %unpack3A_367 = tpu.unpack_subelements %bitcast3A_366, 0 {pack_format = #tpu.pack_format<interleaved>} : vector<32xbf16> -> vector<16xf32>
        %unpack3A_368 = tpu.unpack_subelements %bitcast3A_366, 1 {pack_format = #tpu.pack_format<interleaved>} : vector<32xbf16> -> vector<16xf32>
        %add3A_369 = arith.addf %add3A_351, %unpack3A_367 : vector<16xf32>
        %add3A_370 = arith.addf %add3A_352, %unpack3A_368 : vector<16xf32>
        %scan3A_371 = arith.constant 4 : i32
        %scan3A_372 = arith.addi %scan3A_299, %scan3A_371 : i32
        %get3A_373 = arith.index_cast %scan3A_372 : i32 to index
        %get3A_374 = arith.constant 0 : index
        %get3A_375 = tpu.vector_load %arg9[%get3A_373, %get3A_374] {strides = array<i32>} : memref<200x32xf32, #tpu.memory_space<vmem>>, vector<16xf32>,
        %bitcast3A_376 = vector.bitcast %get3A_375 : vector<16xf32> to vector<32xbf16>
        %unpack3A_377 = tpu.unpack_subelements %bitcast3A_376, 0 {pack_format = #tpu.pack_format<interleaved>} : vector<32xbf16> -> vector<16xf32>
        %unpack3A_378 = tpu.unpack_subelements %bitcast3A_376, 1 {pack_format = #tpu.pack_format<interleaved>} : vector<32xbf16> -> vector<16xf32>
        %add3A_379 = arith.addf %add3A_361, %unpack3A_377 : vector<16xf32>
        %add3A_380 = arith.addf %add3A_362, %unpack3A_378 : vector<16xf32>
        %get3A_381 = arith.index_cast %scan3A_372 : i32 to index
        %get3A_382 = arith.constant 16 : index
        %get3A_383 = tpu.vector_load %arg9[%get3A_381, %get3A_382] {strides = array<i32>} : memref<200x32xf32, #tpu.memory_space<vmem>>, vector<16xf32>,
        %bitcast3A_384 = vector.bitcast %get3A_383 : vector<16xf32> to vector<32xbf16>
        %unpack3A_385 = tpu.unpack_subelements %bitcast3A_384, 0 {pack_format = #tpu.pack_format<interleaved>} : vector<32xbf16> -> vector<16xf32>
        %unpack3A_386 = tpu.unpack_subelements %bitcast3A_384, 1 {pack_format = #tpu.pack_format<interleaved>} : vector<32xbf16> -> vector<16xf32>
        %add3A_387 = arith.addf %add3A_369, %unpack3A_385 : vector<16xf32>
        %add3A_388 = arith.addf %add3A_370, %unpack3A_386 : vector<16xf32>
        %scan3A_389 = arith.constant 5 : i32
        %scan3A_390 = arith.addi %scan3A_299, %scan3A_389 : i32
        %get3A_391 = arith.index_cast %scan3A_390 : i32 to index
        %get3A_392 = arith.constant 0 : index
        %get3A_393 = tpu.vector_load %arg9[%get3A_391, %get3A_392] {strides = array<i32>} : memref<200x32xf32, #tpu.memory_space<vmem>>, vector<16xf32>,
        %bitcast3A_394 = vector.bitcast %get3A_393 : vector<16xf32> to vector<32xbf16>
        %unpack3A_395 = tpu.unpack_subelements %bitcast3A_394, 0 {pack_format = #tpu.pack_format<interleaved>} : vector<32xbf16> -> vector<16xf32>
        %unpack3A_396 = tpu.unpack_subelements %bitcast3A_394, 1 {pack_format = #tpu.pack_format<interleaved>} : vector<32xbf16> -> vector<16xf32>
        %add3A_397 = arith.addf %add3A_379, %unpack3A_395 : vector<16xf32>
        %add3A_398 = arith.addf %add3A_380, %unpack3A_396 : vector<16xf32>
        %get3A_399 = arith.index_cast %scan3A_390 : i32 to index
        %get3A_400 = arith.constant 16 : index
        %get3A_401 = tpu.vector_load %arg9[%get3A_399, %get3A_400] {strides = array<i32>} : memref<200x32xf32, #tpu.memory_space<vmem>>, vector<16xf32>,
        %bitcast3A_402 = vector.bitcast %get3A_401 : vector<16xf32> to vector<32xbf16>
        %unpack3A_403 = tpu.unpack_subelements %bitcast3A_402, 0 {pack_format = #tpu.pack_format<interleaved>} : vector<32xbf16> -> vector<16xf32>
        %unpack3A_404 = tpu.unpack_subelements %bitcast3A_402, 1 {pack_format = #tpu.pack_format<interleaved>} : vector<32xbf16> -> vector<16xf32>
        %add3A_405 = arith.addf %add3A_387, %unpack3A_403 : vector<16xf32>
        %add3A_406 = arith.addf %add3A_388, %unpack3A_404 : vector<16xf32>
        %scan3A_407 = arith.constant 6 : i32
        %scan3A_408 = arith.addi %scan3A_299, %scan3A_407 : i32
        %get3A_409 = arith.index_cast %scan3A_408 : i32 to index
        %get3A_410 = arith.constant 0 : index
        %get3A_411 = tpu.vector_load %arg9[%get3A_409, %get3A_410] {strides = array<i32>} : memref<200x32xf32, #tpu.memory_space<vmem>>, vector<16xf32>,
        %bitcast3A_412 = vector.bitcast %get3A_411 : vector<16xf32> to vector<32xbf16>
        %unpack3A_413 = tpu.unpack_subelements %bitcast3A_412, 0 {pack_format = #tpu.pack_format<interleaved>} : vector<32xbf16> -> vector<16xf32>
        %unpack3A_414 = tpu.unpack_subelements %bitcast3A_412, 1 {pack_format = #tpu.pack_format<interleaved>} : vector<32xbf16> -> vector<16xf32>
        %add3A_415 = arith.addf %add3A_397, %unpack3A_413 : vector<16xf32>
        %add3A_416 = arith.addf %add3A_398, %unpack3A_414 : vector<16xf32>
        %get3A_417 = arith.index_cast %scan3A_408 : i32 to index
        %get3A_418 = arith.constant 16 : index
        %get3A_419 = tpu.vector_load %arg9[%get3A_417, %get3A_418] {strides = array<i32>} : memref<200x32xf32, #tpu.memory_space<vmem>>, vector<16xf32>,
        %bitcast3A_420 = vector.bitcast %get3A_419 : vector<16xf32> to vector<32xbf16>
        %unpack3A_421 = tpu.unpack_subelements %bitcast3A_420, 0 {pack_format = #tpu.pack_format<interleaved>} : vector<32xbf16> -> vector<16xf32>
        %unpack3A_422 = tpu.unpack_subelements %bitcast3A_420, 1 {pack_format = #tpu.pack_format<interleaved>} : vector<32xbf16> -> vector<16xf32>
        %add3A_423 = arith.addf %add3A_405, %unpack3A_421 : vector<16xf32>
        %add3A_424 = arith.addf %add3A_406, %unpack3A_422 : vector<16xf32>
        %scan3A_425 = arith.constant 7 : i32
        %scan3A_426 = arith.addi %scan3A_299, %scan3A_425 : i32
        %get3A_427 = arith.index_cast %scan3A_426 : i32 to index
        %get3A_428 = arith.constant 0 : index
        %get3A_429 = tpu.vector_load %arg9[%get3A_427, %get3A_428] {strides = array<i32>} : memref<200x32xf32, #tpu.memory_space<vmem>>, vector<16xf32>,
        %bitcast3A_430 = vector.bitcast %get3A_429 : vector<16xf32> to vector<32xbf16>
        %unpack3A_431 = tpu.unpack_subelements %bitcast3A_430, 0 {pack_format = #tpu.pack_format<interleaved>} : vector<32xbf16> -> vector<16xf32>
        %unpack3A_432 = tpu.unpack_subelements %bitcast3A_430, 1 {pack_format = #tpu.pack_format<interleaved>} : vector<32xbf16> -> vector<16xf32>
        %add3A_433 = arith.addf %add3A_415, %unpack3A_431 : vector<16xf32>
        %add3A_434 = arith.addf %add3A_416, %unpack3A_432 : vector<16xf32>
        %get3A_435 = arith.index_cast %scan3A_426 : i32 to index
        %get3A_436 = arith.constant 16 : index
        %get3A_437 = tpu.vector_load %arg9[%get3A_435, %get3A_436] {strides = array<i32>} : memref<200x32xf32, #tpu.memory_space<vmem>>, vector<16xf32>,
        %bitcast3A_438 = vector.bitcast %get3A_437 : vector<16xf32> to vector<32xbf16>
        %unpack3A_439 = tpu.unpack_subelements %bitcast3A_438, 0 {pack_format = #tpu.pack_format<interleaved>} : vector<32xbf16> -> vector<16xf32>
        %unpack3A_440 = tpu.unpack_subelements %bitcast3A_438, 1 {pack_format = #tpu.pack_format<interleaved>} : vector<32xbf16> -> vector<16xf32>
        %add3A_441 = arith.addf %add3A_423, %unpack3A_439 : vector<16xf32>
        %add3A_442 = arith.addf %add3A_424, %unpack3A_440 : vector<16xf32>
        scf.yield %add3A_433, %add3A_434, %add3A_441, %add3A_442 : vector<16xf32>, vector<16xf32>, vector<16xf32>, vector<16xf32>
      }
      %scan3A_285 = arith.constant 200 : i32
      %swap3A_286 = arith.index_cast %add3A_246 : i32 to index
      %swap3A_287 = arith.constant 0 : index
      %swap3A_288 = tpu.vector_load %arg10[%swap3A_286, %swap3A_287] {strides = array<i32>} : memref<128x64xf32, #tpu.memory_space<vmem>>, vector<16xf32>,
      tpu.vector_store %arg10[%swap3A_286, %swap3A_287], %scan3A_284#0 {strides = array<i32>} : memref<128x64xf32, #tpu.memory_space<vmem>>, vector<16xf32>,
      %swap3A_289 = arith.index_cast %add3A_246 : i32 to index
      %swap3A_290 = arith.constant 16 : index
      %swap3A_291 = tpu.vector_load %arg10[%swap3A_289, %swap3A_290] {strides = array<i32>} : memref<128x64xf32, #tpu.memory_space<vmem>>, vector<16xf32>,
      tpu.vector_store %arg10[%swap3A_289, %swap3A_290], %scan3A_284#1 {strides = array<i32>} : memref<128x64xf32, #tpu.memory_space<vmem>>, vector<16xf32>,
      %swap3A_292 = arith.index_cast %add3A_246 : i32 to index
      %swap3A_293 = arith.constant 32 : index
      %swap3A_294 = tpu.vector_load %arg10[%swap3A_292, %swap3A_293] {strides = array<i32>} : memref<128x64xf32, #tpu.memory_space<vmem>>, vector<16xf32>,
      tpu.vector_store %arg10[%swap3A_292, %swap3A_293], %scan3A_284#2 {strides = array<i32>} : memref<128x64xf32, #tpu.memory_space<vmem>>, vector<16xf32>,
      %swap3A_295 = arith.index_cast %add3A_246 : i32 to index
      %swap3A_296 = arith.constant 48 : index
      %swap3A_297 = tpu.vector_load %arg10[%swap3A_295, %swap3A_296] {strides = array<i32>} : memref<128x64xf32, #tpu.memory_space<vmem>>, vector<16xf32>,
      tpu.vector_store %arg10[%swap3A_295, %swap3A_296], %scan3A_284#3 {strides = array<i32>} : memref<128x64xf32, #tpu.memory_space<vmem>>, vector<16xf32>,
      %scan3A_298 = arith.constant 0 : i32
      scf.yield %scan3A_298 : i32
    }
    %scan3A_87 = arith.constant 32 : i32
    "tpu.region"() ({
      %run_scoped3A = tpu.sem_alloc : memref<!tpu.dma_semaphore, #tpu.memory_space<semaphore_mem>>
      %dma_start3A_88 = arith.constant 0 : i32
      %dma_start3A_89 = tpu.memref_slice %arg4[%mul3A_2, %dma_start3A_88] : memref<4096x64xf32, #tpu.memory_space<hbm>> -> memref<128x64xf32, #tpu.memory_space<hbm>>
      %dma_start3A_90 = arith.constant 0 : i32
      %dma_start3A_91 = tpu.memref_slice %arg4[%mul3A_2, %dma_start3A_90] : memref<4096x64xf32, #tpu.memory_space<hbm>> -> memref<128x64xf32, #tpu.memory_space<hbm>>
      tpu.enqueue_dma source(%arg10 : memref<128x64xf32, #tpu.memory_space<vmem>>) target(%dma_start3A_91 : memref<128x64xf32, #tpu.memory_space<hbm>>) target_semaphore(%run_scoped3A : memref<!tpu.dma_semaphore, #tpu.memory_space<semaphore_mem>>)
      %dma_wait3A = arith.constant 0 : i32
      %dma_wait3A_92 = tpu.memref_slice %arg4[%mul3A_2, %dma_wait3A] : memref<4096x64xf32, #tpu.memory_space<hbm>> -> memref<128x64xf32, #tpu.memory_space<hbm>>
      %dma_wait3A_93 = arith.constant 0 : i32
      %dma_wait3A_94 = tpu.memref_slice %arg4[%mul3A_2, %dma_wait3A_93] : memref<4096x64xf32, #tpu.memory_space<hbm>> -> memref<128x64xf32, #tpu.memory_space<hbm>>
      tpu.wait_dma2 semaphore(%run_scoped3A : memref<!tpu.dma_semaphore, #tpu.memory_space<semaphore_mem>>) src(%arg10 : memref<128x64xf32, #tpu.memory_space<vmem>>) dst(%dma_wait3A_94 : memref<128x64xf32, #tpu.memory_space<hbm>>)
      tpu.yield
    }) : () -> ()
    return
  }
}

module attributes {stable_mosaic.version = 14 : i64} {
  func.func @_tr_body(%arg0: i32, %arg1: memref<64x16384xf32, #tpu.memory_space<vmem>>, %arg2: memref<4096x128xf32, #tpu.memory_space<vmem>>) attributes {dimension_semantics = [#tpu.dimension_semantics<arbitrary>], iteration_bounds = array<i64: 62>, scalar_prefetch = 0 : i64, scratch_operands = 0 : i64, tpu.core_type = #tpu.core_type<tc>, window_params = [{transform_indices = @transform_0, window_bounds = array<i64: 64, 16384>}, {transform_indices = @transform_1, window_bounds = array<i64: 4096, 128>}]} {
    %get3A = arith.constant 0 : index
    %get3A_0 = arith.constant 0 : index
    %get3A_1 = vector.load %arg1[%get3A, %get3A_0] : memref<64x16384xf32, #tpu.memory_space<vmem>>, vector<64x4096xf32>
    %convert_element_type3A = arith.truncf %get3A_1 : vector<64x4096xf32> to vector<64x4096xbf16>
    %bitcast3A = tpu.bitcast %convert_element_type3A : vector<64x4096xbf16> -> vector<32x4096xf32>
    %get3A_2 = arith.constant 0 : index
    %get3A_3 = arith.constant 4096 : index
    %get3A_4 = vector.load %arg1[%get3A_2, %get3A_3] : memref<64x16384xf32, #tpu.memory_space<vmem>>, vector<64x4096xf32>
    %convert_element_type3A_5 = arith.truncf %get3A_4 : vector<64x4096xf32> to vector<64x4096xbf16>
    %bitcast3A_6 = tpu.bitcast %convert_element_type3A_5 : vector<64x4096xbf16> -> vector<32x4096xf32>
    %get3A_7 = arith.constant 0 : index
    %get3A_8 = arith.constant 8192 : index
    %get3A_9 = vector.load %arg1[%get3A_7, %get3A_8] : memref<64x16384xf32, #tpu.memory_space<vmem>>, vector<64x4096xf32>
    %convert_element_type3A_10 = arith.truncf %get3A_9 : vector<64x4096xf32> to vector<64x4096xbf16>
    %bitcast3A_11 = tpu.bitcast %convert_element_type3A_10 : vector<64x4096xbf16> -> vector<32x4096xf32>
    %get3A_12 = arith.constant 0 : index
    %get3A_13 = arith.constant 12288 : index
    %get3A_14 = vector.load %arg1[%get3A_12, %get3A_13] : memref<64x16384xf32, #tpu.memory_space<vmem>>, vector<64x4096xf32>
    %convert_element_type3A_15 = arith.truncf %get3A_14 : vector<64x4096xf32> to vector<64x4096xbf16>
    %bitcast3A_16 = tpu.bitcast %convert_element_type3A_15 : vector<64x4096xbf16> -> vector<32x4096xf32>
    %concatenate3A = tpu.concatenate %bitcast3A, %bitcast3A_6, %bitcast3A_11, %bitcast3A_16 in 0 : vector<32x4096xf32>, vector<32x4096xf32>, vector<32x4096xf32>, vector<32x4096xf32> -> vector<128x4096xf32>
    %transpose3A = tpu.transpose %concatenate3A, [1, 0] : vector<128x4096xf32> -> vector<4096x128xf32>
    %swap3A = arith.constant 0 : index
    %swap3A_17 = arith.constant 0 : index
    %swap3A_18 = vector.load %arg2[%swap3A, %swap3A_17] : memref<4096x128xf32, #tpu.memory_space<vmem>>, vector<4096x128xf32>
    tpu.vector_store %arg2[%swap3A, %swap3A_17], %transpose3A {strides = array<i32>} : memref<4096x128xf32, #tpu.memory_space<vmem>>, vector<4096x128xf32>,
    return
  }
  func.func @transform_0(%arg0: i32) -> (i32, i32) {
    %c0_i32 = arith.constant 0 : i32
    %c0_i32_0 = arith.constant 0 : i32
    return %c0_i32, %arg0 : i32, i32
  }
  func.func @transform_1(%arg0: i32) -> (i32, i32) {
    %c0_i32 = arith.constant 0 : i32
    %c0_i32_0 = arith.constant 0 : i32
    return %arg0, %c0_i32 : i32, i32
  }
}

module attributes {stable_mosaic.version = 14 : i64} {
  func.func @_head_body(%arg0: i32, %arg1: memref<512x64xf32, #tpu.memory_space<vmem>>, %arg2: memref<128x64xf32, #tpu.memory_space<vmem>>, %arg3: memref<1x128xf32, #tpu.memory_space<vmem>>, %arg4: memref<512x128xf32, #tpu.memory_space<vmem>>) attributes {dimension_semantics = [#tpu.dimension_semantics<arbitrary>], iteration_bounds = array<i64: 8>, scalar_prefetch = 0 : i64, scratch_operands = 0 : i64, tpu.core_type = #tpu.core_type<tc>, window_params = [{transform_indices = @transform_0, window_bounds = array<i64: 512, 64>}, {pipeline_mode = #tpu.pipeline_mode<synchronous>, transform_indices = @transform_1, window_bounds = array<i64: 128, 64>}, {pipeline_mode = #tpu.pipeline_mode<synchronous>, transform_indices = @transform_2, window_bounds = array<i64: 1, 128>}, {transform_indices = @transform_3, window_bounds = array<i64: 512, 128>}]} {
    %get3A = arith.constant 0 : index
    %get3A_0 = arith.constant 0 : index
    %get3A_1 = vector.load %arg1[%get3A, %get3A_0] : memref<512x64xf32, #tpu.memory_space<vmem>>, vector<512x64xf32>
    %get3A_2 = arith.constant 0 : index
    %get3A_3 = arith.constant 0 : index
    %get3A_4 = vector.load %arg2[%get3A_2, %get3A_3] : memref<128x64xf32, #tpu.memory_space<vmem>>, vector<128x64xf32>
    %dot_general3A = arith.constant dense<0.000000e+00> : vector<512x128xf32>
    %dot_general3A_5 = tpu.matmul %get3A_1, %get3A_4, %dot_general3A {dimension_numbers = #tpu.dot_dimension_numbers<[1], [1], [0], [0], [0, 0, 1, 0], [], []>, transpose_lhs_hint = false} : vector<512x64xf32>, vector<128x64xf32>, vector<512x128xf32> -> vector<512x128xf32>
    %get3A_6 = arith.constant 0 : index
    %get3A_7 = arith.constant 0 : index
    %get3A_8 = vector.load %arg3[%get3A_6, %get3A_7] : memref<1x128xf32, #tpu.memory_space<vmem>>, vector<1x128xf32>
    %add3A = vector.broadcast %get3A_8 : vector<1x128xf32> to vector<512x128xf32>
    %add3A_9 = arith.addf %dot_general3A_5, %add3A : vector<512x128xf32>
    %swap3A = arith.constant 0 : index
    %swap3A_10 = arith.constant 0 : index
    %swap3A_11 = vector.load %arg4[%swap3A, %swap3A_10] : memref<512x128xf32, #tpu.memory_space<vmem>>, vector<512x128xf32>
    tpu.vector_store %arg4[%swap3A, %swap3A_10], %add3A_9 {strides = array<i32>} : memref<512x128xf32, #tpu.memory_space<vmem>>, vector<512x128xf32>,
    return
  }
  func.func @transform_0(%arg0: i32) -> (i32, i32) {
    %c0_i32 = arith.constant 0 : i32
    %c0_i32_0 = arith.constant 0 : i32
    return %arg0, %c0_i32 : i32, i32
  }
  func.func @transform_1(%arg0: i32) -> (i32, i32) {
    %c0_i32 = arith.constant 0 : i32
    %c0_i32_0 = arith.constant 0 : i32
    %c0_i32_1 = arith.constant 0 : i32
    return %c0_i32, %c0_i32_0 : i32, i32
  }
  func.func @transform_2(%arg0: i32) -> (i32, i32) {
    %c0_i32 = arith.constant 0 : i32
    %c0_i32_0 = arith.constant 0 : i32
    %c0_i32_1 = arith.constant 0 : i32
    return %c0_i32, %c0_i32_0 : i32, i32
  }
  func.func @transform_3(%arg0: i32) -> (i32, i32) {
    %c0_i32 = arith.constant 0 : i32
    %c0_i32_0 = arith.constant 0 : i32
    return %arg0, %c0_i32 : i32, i32
  }
}

</mosaic_0001>

<sc_bundles>
// kernel: kernel.5.cloned.1.call-start
scs
__scs_entry_jumppad:
0x0: {  	(pc) =	sbr.rel $0x88, $3  }
0x1: {  	(tag) =	ssettag $0x0;
	lr =	simm.s32 $0x1  }
0x2: {  	[smem:$0x3F9D] =	sst lr;
	_ =	strace $0xD0000000  }
0x3: {  	_ = 	snop  }
0x4: {  	_ = 	snop  }
0x5: {  	_ = 	snop  }
0x6: {  	_ = 	snop  }
0x7: {  	_ = 	snop  }
__scs_overlays_trampoline_lowered:
0x8: {  	[smem:$0x3FAC] =	sst s0  }
0x9: {  	[smem:$0x3FAD] =	sst s1  }
0xa: {  	[smem:$0x3FAE] =	sst s2  }
0xb: {  	[smem:$0x3FAF] =	sst s3  }
0xc: {  	[smem:$0x3FB0] =	sst s4  }
0xd: {  	[smem:$0x3FB1] =	sst s5  }
0xe: {  	[smem:$0x3FB2] =	sst s6  }
0xf: {  	[smem:$0x3FB3] =	sst s7  }
0x10: {  	[smem:$0x3FB4] =	sst s8  }
0x11: {  	[smem:$0x3FB5] =	sst s9;
	s0 =	simm.s32 @!p0 $0x0  }
0x12: {  	s1 =	sld [smem:$0x3F9B];
	s0 =	simm.s32 @p0 $0x1  }
0x13: {  	[smem:$0x3FB6] =	sst s0;
	s0 =	simm.s32 @!p1 $0x0  }
0x14: {  	s2 =	sld [smem:$0x3F9A];
	s0 =	simm.s32 @p1 $0x1  }
0x15: {  	[smem:$0x3FB7] =	sst s0;
	s0 =	simm.s32 @!p2 $0x0  }
0x16: {  	s3 =	sld [smem:$0x3FDB];
	s0 =	simm.s32 @p2 $0x1  }
0x17: {  	s4 =	simm.s32 $0x1BF5;
	[smem:$0x3FB9] =	sst s0  }
0x18: {  	s0 =	sld [smem:$0x3F9C];
	_ =	swait.ge [sflag:s4], $0x0  }
0x19: {  	s7 =	sld [smem:$0x3F9D]  }
0x1a: {  	s8 =	sadd.s32 $0xFFFFE003, lr  }
0x1b: {  	s9 =	sadd.s32 $0xFFFFFEF7, lr;
	s5 =	simm.s32 $0xFFFFFFFF;
	p2 =	slt.u32 s8, $0xFFFFF086  }
0x1c: {  	p1 =	slt.u32 s9, $0xF7A;
	s5 =	simm.s32 @!p2 $0x0  }
0x1d: {  	s5 =	simm.s32 @p1 $0x1;
	p0 =	seq.s32 s7, s2  }
0x1e: {  	s7 =	smul.u32 @!p0 $0xF7A, s2;
	p2 =	seq.s32 @!p0 s5, $0x0  }
0x1f: {  	s9 =	smul.u32 $0xF7A, s1;
	s8 =	simm.s32 @!p0 $0x1BF5;
	p2 =	por !p2, p0  }
0x20: {  	[sflag:s8] =	ssyncset.s32 @!p0 $0xFFFFF086;
	s6 =	sadd.s32 @!p0 s3, s7;
	s7 =	simm.s32 @!p0 $0x108  }
0x21: {  	s3 =	sadd.s32 s3, s9;
	s6 =	sadd.s32 @!p0 $0x88, s6;
	s7 =	simm.s32 @p2 $0x1082  }
0x22: {  	[simem:s7], [sflag:s8] =	dma.local @!p0 [hbm:s6], $0xF7A  }
0x23: {  	s9 =	sor.u32 $0xD0000000, s2;
	s6 =	simm.s32 $0x108;
	_ =	swait.ge @!p0 [sflag:s8], $0x0  }
0x24: {  	s3 =	sadd.s32 $0x88, s3;
	s6 =	simm.s32 @!p1 $0x1082;
	[sflag:s4] =	ssyncset.s32 $0xFFFFF086  }
0x25: {  	[simem:s6], [sflag:s4] =	dma.local [hbm:s3], $0xF7A  }
0x26: {  	[smem:$0x3F9D] =	sst s1;
	(tag) =	ssettag s2;
	_ =	strace s9  }
0x27: {  	s1 =	sld [smem:$0x3FAD]  }
0x28: {  	s2 =	sld [smem:$0x3FAE]  }
0x29: {  	s4 =	sld [smem:$0x3FB0]  }
0x2a: {  	p0 =	seq.s32 s5, $0x0;
	s5 =	sld [smem:$0x3FB1]  }
0x2b: {  	s6 =	sld [smem:$0x3FB2]  }
0x2c: {  	s7 =	sld [smem:$0x3FB3]  }
0x2d: {  	s3 =	simm.s32 $0x108;
	s8 =	sld [smem:$0x3FB4]  }
0x2e: {  	s3 =	simm.s32 @!p0 $0x1082;
	s9 =	sld [smem:$0x3FB5]  }
0x2f: {  	lr =	sadd.s32 s0, s3;
	s0 =	sld [smem:$0x3FAC]  }
0x30: {  	s3 =	sld [smem:$0x3FAF]  }
0x31: {  	[smem:$0x3FB8] =	sst s10  }
0x32: {  	s10 =	sld [smem:$0x3FB6];
	_ =	sdelay $0x3  }
0x33: {  	p0 =	seq.s32 s10, $0x1;
	s10 =	sld [smem:$0x3FB8];
	_ =	sdelay $0x3  }
0x34: {  	[smem:$0x3FB8] =	sst s10  }
0x35: {  	s10 =	sld [smem:$0x3FB7];
	_ =	sdelay $0x3  }
0x36: {  	p1 =	seq.s32 s10, $0x1;
	s10 =	sld [smem:$0x3FB8];
	_ =	sdelay $0x3  }
0x37: {  	[smem:$0x3FB8] =	sst s10  }
0x38: {  	s10 =	sld [smem:$0x3FB9]  }
0x39: {  	_ = 	snop;
	(pc) =	sbr.ind lr, $3  }
0x3a: {  	_ = 	snop  }
0x3b: {  	_ = 	snop  }
0x3c: {  	p2 =	seq.s32 s10, $0x1;
	s10 =	sld [smem:$0x3FB8]  }
0x3d: {  	_ =	shalt  }
0x3e: {  	_ =	shalt  }
0x3f: {  	_ =	shalt  }
0x40: {  	_ =	shalt  }
0x41: {  	_ =	shalt  }
0x42: {  	_ =	shalt  }
0x43: {  	_ =	shalt  }
0x44: {  	_ =	shalt  }
0x45: {  	_ =	shalt  }
0x46: {  	_ =	shalt  }
0x47: {  	_ =	shalt  }
0x48: {  	_ =	shalt  }
0x49: {  	_ =	shalt  }
0x4a: {  	_ =	shalt  }
0x4b: {  	_ =	shalt  }
0x4c: {  	_ =	shalt  }
0x4d: {  	_ =	shalt  }
0x4e: {  	_ =	shalt  }
0x4f: {  	_ =	shalt  }
0x50: {  	_ =	shalt  }
0x51: {  	_ =	shalt  }
0x52: {  	_ =	shalt  }
0x53: {  	_ =	shalt  }
0x54: {  	_ =	shalt  }
0x55: {  	_ =	shalt  }
0x56: {  	_ =	shalt  }
0x57: {  	_ =	shalt  }
0x58: {  	_ =	shalt  }
0x59: {  	_ =	shalt  }
0x5a: {  	_ =	shalt  }
0x5b: {  	_ =	shalt  }
0x5c: {  	_ =	shalt  }
0x5d: {  	_ =	shalt  }
0x5e: {  	_ =	shalt  }
0x5f: {  	_ =	shalt  }
0x60: {  	_ =	shalt  }
0x61: {  	_ =	shalt  }
0x62: {  	_ =	shalt  }
0x63: {  	_ =	shalt  }
0x64: {  	_ =	shalt  }
0x65: {  	_ =	shalt  }
0x66: {  	_ =	shalt  }
0x67: {  	_ =	shalt  }
0x68: {  	_ =	shalt  }
0x69: {  	_ =	shalt  }
0x6a: {  	_ =	shalt  }
0x6b: {  	_ =	shalt  }
0x6c: {  	_ =	shalt  }
0x6d: {  	_ =	shalt  }
0x6e: {  	_ =	shalt  }
0x6f: {  	_ =	shalt  }
0x70: {  	_ =	shalt  }
0x71: {  	_ =	shalt  }
0x72: {  	_ =	shalt  }
0x73: {  	_ =	shalt  }
0x74: {  	_ =	shalt  }
0x75: {  	_ =	shalt  }
0x76: {  	_ =	shalt  }
0x77: {  	_ =	shalt  }
0x78: {  	_ =	shalt  }
0x79: {  	_ =	shalt  }
0x7a: {  	_ =	shalt  }
0x7b: {  	_ =	shalt  }
0x7c: {  	_ =	shalt  }
0x7d: {  	_ =	shalt  }
0x7e: {  	_ =	shalt  }
0x7f: {  	_ =	shalt  }
0x80: {  	_ =	shalt  }
0x81: {  	_ =	shalt  }
0x82: {  	_ =	shalt  }
0x83: {  	_ =	shalt  }
0x84: {  	_ =	shalt  }
0x85: {  	_ =	shalt  }
0x86: {  	_ =	shalt  }
0x87: {  	_ =	shalt  }
.Lfunc_end0:
.L_simem_size_0:
called_computation_lowered:
.L_overlay_start_0:
0x88: {  	s2 =	sld [smem:$0x3FD9]  }
0x89: {  	s3 =	sld [smem:$0x3FFE];
	_ =	sdelay $0x1  }
0x8a: {  	s1 =	srdreg.scid  }
0x8b: {  	s0 =	sand.u32 $0x1, s1  }
0x8c: {  	s17 =	sshll.u32 s0, $0xA;
	s2 =	sadd.s32 s3, s2  }
0x8d: {  	s2 =	sadd.s32 s2, s17  }
0x8e: {  	[smem:$0x3FC4] =	sst s2  }
0x8f: {  	_ = 	snop  }
0x90: {  	s2 =	sld [smem:$0x3FD0];
	(tm) =	ssettm $0x1  }
0x91: {  	s18 =	sld [smem:$0x3FFB];
	_ =	sdelay $0x3  }
0x92: {  	_ =	strace s18  }
0x93: {  	s3 =	sld [smem:$0x3FFC];
	_ =	sdelay $0x3  }
0x94: {  	_ =	strace s3  }
0x95: {  	s3 =	sld [smem:$0x3FFD];
	_ =	sdelay $0x3  }
0x96: {  	_ =	strace s3  }
0x97: {  	_ =	strace $0x8FFFFFFF  }
0x98: {  	s19 =	sld [smem:$0x3FDB];
	_ =	sdelay $0x1  }
0x99: {  	s4 =	simm.s32 $_scs_section_size  }
0x9a: {  	s5 =	simm.s32 $_size__tile_overlayer_lowered;
	s6 =	simm.s32 $_tile_overlayer_lowered  }
0x9b: {  	s22 =	simm.s32 $0x1BFF;
	s21 =	sshll.u32 s6, $0x1;
	s3 =	sadd.s32 s4, s19  }
0x9c: {  	s7 =	simm.s32 $0x0;
	s20 =	sshll.u32 s5, $0x1;
	s5 =	sadd.s32 s21, s3  }
0x9d: {  	[timem:s7], [sflag:s22] =	dma.local [hbm:s5], s20  }
0x9e: {  	_ =	swait.ge [sflag:s22], s20  }
0x9f: {  	s4 =	ssub.s32 $0x0, s20;
	[sflag:s22] =	ssyncset.done $0x0  }
0xa0: {  	[sflag:s22] =	ssyncadd.s32 s4;
	_ =	sdelay $0x1  }
0xa1: {  	s23 =	simm.s32 $0x1B8B  }
0xa2: {  	_ =	swait.ge [sflag:s23], $0x1  }
0xa3: {  	[sflag:s23] =	ssyncset.done $0x0  }
0xa4: {  	s25 =	simm.s32 $0x1B8E;
	s24 =	sld [smem:$0x3FFE];
	[sflag:s23] =	ssyncadd.s32 $0xFFFFFFFF  }
0xa5: {  	s26 =	simm.s32 $execute0_lowered;
	[smem:$0x3FD2] =	sst s25  }
0xa6: {  	s5 =	sshll.u32 s26, $0x1;
	_ =	strace $0x80000046;
	[dreg:$0x1] =	wrdreg $0xFFFFFFFF  }
0xa7: {  	s28 =	simm.s32 $_size_execute0_lowered;
	s3 =	sadd.s32 s3, s5;
	[dreg:$0x0] =	wrdreg $0x0  }
0xa8: {  	s5 =	sshll.u32 s28, $0x1;
	[dreg:$0x2] =	wrdreg s3  }
0xa9: {  	[dreg:$0x3] =	wrdreg s5  }
0xaa: {  	[dreg:$0x4] =	wrdreg $0xC0  }
0xab: {  	_ =	task [dreg:s7], $0x5FFFF  }
0xac: {  	[dreg:$0x1] =	wrdreg $0xFFFFFFFF  }
0xad: {  	[dreg:$0x0] =	wrdreg $0x60  }
0xae: {  	[dreg:$0x2] =	wrdreg s24  }
0xaf: {  	[dreg:$0x3] =	wrdreg s2  }
0xb0: {  	[dreg:$0x4] =	wrdreg $0x9  }
0xb1: {  	_ =	task.clear_ibuf [dreg:s7], $0x5FFFF;
	_ =	strace $0x90000046  }
0xb2: {  	s29 =	simm.s32 $0x9;
	_ =	strace $0x80000048  }
0xb3: {  	_ =	swait.ge [sflag:s29], $0x1  }
0xb4: {  	[sflag:s29] =	ssyncadd.s32 $0xFFFFFFFF  }
0xb5: {  	_ =	strace $0x90000048  }
0xb6: {  	_ =	sfence  }
0xb7: {  	s30 =	sld [smem:$0x0];
	_ =	sdelay $0x2  }
0xb8: {  	s31 =	sshll.u32 s1, $0xD;
	s1 =	sshrl.u32 s1, $0x2  }
0xb9: {  	s3 =	sand.u32 $0x4000, s31;
	s1 =	sadd.s32 s1, s30  }
0xba: {  	s0 =	sor.u32 s3, s0;
	s1 =	sshll.u32 s1, $0x11  }
0xbb: {  	s0 =	sor.u32 s1, s0  }
0xbc: {  	s0 =	sadd.s32 $0x8F2B, s0  }
0xbd: {  	[sflag:s0] =	ssyncadd.remote.s32 $0x1  }
0xbe: {  	_ =	sfence.sel $0xFFFF  }
0xbf: {  	[dreg:$0x0] =	wrdreg $0xFFFFFFFF;
	(pc) =	sbr.abs _section_cstart, $3  }
0xc0: {  	[dreg:$0x1] =	wrdreg $0xFFFFFFFF  }
0xc1: {  	_ =	task.clear_ibuf [dreg:s7], $0x2FFFF;
	_ =	strace $0x9FFFFFFF  }
0xc2: {  	(tm) =	ssettm $0x7FFFFFFF  }
0xc3: {  	_ =	shalt  }
tec
execute0_lowered:
.L_overlay_start_1:
0x0: {  	(tag) =	ssettag $0x1  }
0x1: {  	s0 =	srdreg.scid;
	s1 =	rddreg [dreg:$0x0]  }
0x2: {  	s2 =	stileid.u32;
	s5 =	rddreg [dreg:$0x1];
	s8 =	simm.s32 $0x68  }
0x3: {  	s10 =	simm.s32 $0x60;
	s13 =	simm.s32 $0x7D00;
	s14 =	simm.s32 $0x130  }
0x4: {  	s15 =	simm.s32 $0x8A00;
	s16 =	simm.s32 $0x190;
	s17 =	simm.s32 $0x9600  }
0x5: {  	s18 =	simm.s32 $0x1F8;
	s19 =	simm.s32 $0xA300;
	s20 =	simm.s32 $0x258  }
0x6: {  	s21 =	simm.s32 $0xAF00;
	s22 =	simm.s32 $0x2C0;
	s23 =	simm.s32 $0xBC00  }
0x7: {  	s24 =	simm.s32 $0x1;
	s25 =	simm.s32 $0x2;
	s26 =	simm.s32 $0x3  }
0x8: {  	s28 =	simm.s32 $0x4;
	s29 =	simm.s32 $0xC800;
	s0 =	sand.u32 $0x1, s0  }
0x9: {  	s30 =	simm.s32 $0x0;
	s2 =	sshll.u32 s2, $0x8;
	s3 =	sshll.u32 s0, $0x7  }
0xa: {  	s0 =	ssub.s32 $0x2, s0;
	s4 =	sor.u32 s3, s2;
	s2 =	simm.s32 $0x0  }
0xb: {  	s31 =	sshrl.u32 s0, $0x1;
	s3 =	smul.u32 $0x19, s4;
	[smem:$0x7FF] =	sst s2  }
0xc: {  	s7 =	sshll.u32 s4, $0x3;
	s0 =	ssub.s32 s0, s31;
	_ =	strace $0x80000047  }
0xd: {  	s5 =	sadd.s32 s5, s7;
	s7 =	simm.s32 $0x5;
	s6 =	sadd.s32 s3, s1  }
0xe: {  	s3 =	sadd.s32 $0x19600, s1;
	s4 =	sadd.s32 $0x600, s6;
	s6 =	smax.u32 s0, $0x1  }
.LBB2_1:
0xf: {  	[tilespmem:s2], [sflag:$0x5] =	stream.linear.gather [hbm4b:s4+s2], $0x6400, $0x38;
	[tilespmem:$0xE800] =	vst v63  }
0x10: {  	_ =	swait.ge [sflag:s7], $0x6400  }
0x11: {  	[sflag:s7] =	ssyncset.done $0x0  }
0x12: {  	s0 =	simm.s32 $0x6400;
	[sflag:s7] =	ssyncadd.s32 $0xFFFF9C00  }
0x13: {  	[tilespmem:s0], [sflag:$0x1] =	stream.indirect.gather [hbm4b:s3+s8], $0x20, s2, s8, $0xb8;
	[tilespmem:$0xE800] =	vst v63  }
0x14: {  	s11 =	simm.s32 $0x7100  }
0x15: {  	[tilespmem:s11], [sflag:$0x1] =	stream.indirect.gather [hbm4b:s3+s10], $0x20, s8, s10, $0xb8;
	[tilespmem:$0xE800] =	vst v63  }
0x16: {  	s12 =	simm.s32 $0xC8  }
0x17: {  	[tilespmem:s13], [sflag:$0x2] =	stream.indirect.gather [hbm4b:s3+s8], $0x20, s12, s8, $0xb8;
	[tilespmem:$0xE800] =	vst v63  }
0x18: {  	_ = 	snop  }
0x19: {  	[tilespmem:s15], [sflag:$0x2] =	stream.indirect.gather [hbm4b:s3+s10], $0x20, s14, s10, $0xb8;
	[tilespmem:$0xE800] =	vst v63  }
0x1a: {  	_ = 	snop  }
0x1b: {  	[tilespmem:s17], [sflag:$0x3] =	stream.indirect.gather [hbm4b:s3+s8], $0x20, s16, s8, $0xb8;
	[tilespmem:$0xE800] =	vst v63  }
0x1c: {  	_ = 	snop  }
0x1d: {  	[tilespmem:s19], [sflag:$0x3] =	stream.indirect.gather [hbm4b:s3+s10], $0x20, s18, s10, $0xb8;
	[tilespmem:$0xE800] =	vst v63  }
0x1e: {  	_ = 	snop  }
0x1f: {  	[tilespmem:s21], [sflag:$0x4] =	stream.indirect.gather [hbm4b:s3+s8], $0x20, s20, s8, $0xb8;
	[tilespmem:$0xE800] =	vst v63  }
0x20: {  	s31 =	simm.s32 $0x0  }
0x21: {  	[tilespmem:s23], [sflag:$0x4] =	stream.indirect.gather [hbm4b:s3+s10], $0x20, s22, s10, $0xb8;
	[tilespmem:$0xE800] =	vst v63  }
.LBB2_2:
0x22: {  	_ =	swait.ge [sflag:s24], $0xD00  }
0x23: {  	p0 =	seq.s32 s31, $0x1F;
	[sflag:s24] =	ssyncset.done $0x0  }
0x24: {  	s0 =	smul.u32 @!p0 $0xC80, s31;
	[sflag:s24] =	ssyncadd.s32 $0xFFFFF300  }
0x25: {  	_ =	swait.ge [sflag:s24], $0xC00  }
0x26: {  	s9 =	simm.s32 @!p0 $0x68;
	s0 =	sshra.s32 @!p0 s0, $0x2;
	[sflag:s24] =	ssyncset.done $0x0  }
0x27: {  	s11 =	simm.s32 @!p0 $0x6400;
	s1 =	sadd.s32 @!p0 $0x320, s0;
	[sflag:s24] =	ssyncadd.s32 $0xFFFFF400  }
0x28: {  	[tilespmem:s11], [sflag:$0x1] =	stream.indirect.gather @!p0 [hbm4b:s3+s9], $0x20, s1, s9, $0xb8;
	[tilespmem:$0xE800] =	vst v63  }
0x29: {  	s1 =	sadd.s32 @!p0 $0x388, s0;
	s9 =	simm.s32 @!p0 $0x60;
	s11 =	simm.s32 @!p0 $0x7100  }
0x2a: {  	[tilespmem:s11], [sflag:$0x1] =	stream.indirect.gather @!p0 [hbm4b:s3+s9], $0x20, s1, s9, $0xb8;
	[tilespmem:$0xE800] =	vst v63  }
0x2b: {  	s1 =	simm.s32 $0x6480  }
0x2c: {  	v1 =	vld [tilespmem:s1+$0x60]  }
0x2d: {  	v3 =	vld [tilespmem:s1+$0x40]  }
0x2e: {  	v5 =	vld [tilespmem:s1+$0x20]  }
0x2f: {  	v7 =	vld [tilespmem:s1+$0x0]  }
0x30: {  	v8 =	vld [tilespmem:s1+$0xFFFFFFE0]  }
0x31: {  	v9 =	vld [tilespmem:s1+$0xFFFFFFC0]  }
0x32: {  	v10 =	vld [tilespmem:s1+$0xFFFFFFA0]  }
0x33: {  	v11 =	vld [tilespmem:s1+$0xFFFFFF80]  }
0x34: {  	v12 =	vimm.f32 $0.0e+00;
	v13 =	vld [tilespmem:s1+$0xFFFFFF90];
	v0 =	vunpack.i.u.bf16.f32 v1;
	v1 =	vunpack.i.l.bf16.f32 v1  }
0x35: {  	v4 =	vunpack.i.u.bf16.f32 v5;
	v2 =	vunpack.i.u.bf16.f32 v3;
	v3 =	vunpack.i.l.bf16.f32 v3  }
0x36: {  	v14 =	vld [tilespmem:s1+$0xFFFFFFB0];
	v6 =	vunpack.i.u.bf16.f32 v7;
	v7 =	vunpack.i.l.bf16.f32 v7;
	v5 =	vunpack.i.l.bf16.f32 v5  }
0x37: {  	v15 =	vunpack.i.u.bf16.f32 v9;
	v16 =	vunpack.i.u.bf16.f32 v8;
	v17 =	vunpack.i.l.bf16.f32 v8  }
0x38: {  	v18 =	vld [tilespmem:s1+$0xFFFFFFD0];
	v8 =	vunpack.i.u.bf16.f32 v10;
	v19 =	vunpack.i.u.bf16.f32 v11;
	v11 =	vunpack.i.l.bf16.f32 v11  }
0x39: {  	v20 =	vunpack.i.u.bf16.f32 v13;
	v13 =	vunpack.i.l.bf16.f32 v13;
	v11 =	vadd.f32 v11, v12  }
0x3a: {  	v21 =	vld [tilespmem:s1+$0xFFFFFFF0];
	v10 =	vunpack.i.l.bf16.f32 v10;
	v19 =	vadd.f32 v19, v12;
	v13 =	vadd.f32 v13, v12  }
0x3b: {  	v12 =	vadd.f32 v20, v12;
	v11 =	vadd.f32 v10, v11;
	v10 =	vunpack.i.l.bf16.f32 v14  }
0x3c: {  	v62 =	vunpack.i.u.bf16.f32 v14;
	v8 =	vadd.f32 v8, v19;
	v13 =	vadd.f32 v10, v13;
	v10 =	vld [tilespmem:s1+$0x10]  }
0x3d: {  	v9 =	vunpack.i.l.bf16.f32 v9;
	v14 =	vadd.f32 v62, v12;
	v19 =	vunpack.i.u.bf16.f32 v18  }
0x3e: {  	v9 =	vadd.f32 v9, v11;
	v63 =	vadd.f32 v15, v8;
	v11 =	vunpack.i.l.bf16.f32 v18;
	v8 =	vld [tilespmem:s1+$0x30]  }
0x3f: {  	v12 =	vadd.f32 v11, v13;
	v11 =	vadd.f32 v19, v14;
	v13 =	vunpack.i.u.bf16.f32 v21  }
0x40: {  	s9 =	simm.s32 $0x0;
	s11 =	simm.s32 $0x6580;
	v15 =	vadd.f32 v17, v9;
	v14 =	vadd.f32 v16, v63;
	v16 =	vunpack.i.l.bf16.f32 v21;
	v9 =	vld [tilespmem:s1+$0x50]  }
.LBB2_3:
0x41: {  	v17 =	vld [tilespmem:s11+$0x60];
	v12 =	vadd.f32 v16, v12;
	v11 =	vadd.f32 v13, v11;
	v13 =	vunpack.i.u.bf16.f32 v10  }
0x42: {  	v10 =	vunpack.i.l.bf16.f32 v10;
	v7 =	vadd.f32 v7, v15;
	v6 =	vadd.f32 v6, v14;
	v14 =	vld [tilespmem:s1+$0x70];
	s1 =	smov.u32 s11  }
0x43: {  	v15 =	vld [tilespmem:s11+$0x40];
	v10 =	vadd.f32 v10, v12;
	v11 =	vadd.f32 v13, v11;
	v12 =	vunpack.i.u.bf16.f32 v8  }
0x44: {  	v13 =	vld [tilespmem:s11+$0x20];
	v5 =	vadd.f32 v5, v7;
	v4 =	vadd.f32 v4, v6;
	v6 =	vunpack.i.l.bf16.f32 v8  }
0x45: {  	v7 =	vld [tilespmem:s11+$0x0];
	v6 =	vadd.f32 v6, v10;
	v8 =	vadd.f32 v12, v11;
	v10 =	vunpack.i.u.bf16.f32 v9  }
0x46: {  	v11 =	vld [tilespmem:s11+$0xFFFFFFE0];
	v3 =	vadd.f32 v3, v5;
	v2 =	vadd.f32 v2, v4;
	v4 =	vunpack.i.l.bf16.f32 v9  }
0x47: {  	v9 =	vld [tilespmem:s11+$0xFFFFFFC0];
	v4 =	vadd.f32 v4, v6;
	v5 =	vadd.f32 v10, v8;
	v6 =	vunpack.i.u.bf16.f32 v14  }
0x48: {  	v8 =	vld [tilespmem:s11+$0xFFFFFFA0];
	v10 =	vadd.f32 v1, v3;
	v12 =	vadd.f32 v0, v2;
	v0 =	vunpack.i.l.bf16.f32 v14  }
0x49: {  	v14 =	vld [tilespmem:s11+$0xFFFFFF80];
	v16 =	vadd.f32 v0, v4;
	v18 =	vadd.f32 v6, v5  }
0x4a: {  	v1 =	vunpack.i.l.bf16.f32 v17;
	v0 =	vunpack.i.u.bf16.f32 v17;
	v19 =	vld [tilespmem:s11+$0xFFFFFF90]  }
0x4b: {  	s9 =	sadd.s32 $0x8, s9;
	v2 =	vunpack.i.u.bf16.f32 v15;
	v3 =	vunpack.i.l.bf16.f32 v15;
	v4 =	vunpack.i.u.bf16.f32 v13  }
0x4c: {  	p1 =	slt.u32 s9, $0xC0;
	v5 =	vunpack.i.l.bf16.f32 v13;
	v6 =	vunpack.i.u.bf16.f32 v7;
	v7 =	vunpack.i.l.bf16.f32 v7;
	v15 =	vld [tilespmem:s11+$0xFFFFFFB0]  }
0x4d: {  	v17 =	vunpack.i.u.bf16.f32 v11;
	v20 =	vunpack.i.l.bf16.f32 v11;
	v13 =	vunpack.i.u.bf16.f32 v9  }
0x4e: {  	v9 =	vunpack.i.l.bf16.f32 v9;
	v11 =	vunpack.i.u.bf16.f32 v8;
	v8 =	vunpack.i.l.bf16.f32 v8;
	v21 =	vld [tilespmem:s11+$0xFFFFFFD0]  }
0x4f: {  	v22 =	vunpack.i.u.bf16.f32 v14;
	v14 =	vunpack.i.l.bf16.f32 v14;
	v23 =	vunpack.i.u.bf16.f32 v19  }
0x50: {  	v10 =	vadd.f32 v14, v10;
	v12 =	vadd.f32 v22, v12;
	v14 =	vunpack.i.l.bf16.f32 v19;
	v19 =	vld [tilespmem:s11+$0xFFFFFFF0]  }
0x51: {  	v14 =	vadd.f32 v14, v16;
	v16 =	vadd.f32 v23, v18;
	v18 =	vunpack.i.u.bf16.f32 v15  }
.Ltmp0:
0x52: {  	v8 =	vadd.f32 v8, v10;
	v11 =	vadd.f32 v11, v12;
	v12 =	vunpack.i.l.bf16.f32 v15;
	v10 =	vld [tilespmem:s11+$0x10];
	(pc) =	sbr.rel @p1 .LBB2_3-.Ltmp0, $4  }
0x53: {  	v12 =	vadd.f32 v12, v14;
	v14 =	vadd.f32 v18, v16;
	v15 =	vunpack.i.u.bf16.f32 v21  }
0x54: {  	v9 =	vadd.f32 v9, v8;
	v16 =	vadd.f32 v13, v11;
	v11 =	vunpack.i.l.bf16.f32 v21;
	v8 =	vld [tilespmem:s11+$0x30]  }
0x55: {  	v12 =	vadd.f32 v11, v12;
	v11 =	vadd.f32 v15, v14;
	v13 =	vunpack.i.u.bf16.f32 v19  }
0x56: {  	s11 =	sadd.s32 $0x100, s11;
	v15 =	vadd.f32 v20, v9;
	v14 =	vadd.f32 v17, v16;
	v16 =	vunpack.i.l.bf16.f32 v19;
	v9 =	vld [tilespmem:s1+$0x50]  }
0x57: {  	_ = 	snop  }
0x58: {  	v12 =	vadd.f32 v16, v12;
	v7 =	vadd.f32 v7, v15  }
0x59: {  	v11 =	vadd.f32 v13, v11;
	v13 =	vunpack.i.l.bf16.f32 v10;
	v6 =	vadd.f32 v6, v14  }
0x5a: {  	v10 =	vunpack.i.u.bf16.f32 v10;
	v14 =	vld [tilespmem:s1+$0x70];
	v12 =	vadd.f32 v13, v12;
	v5 =	vadd.f32 v5, v7  }
0x5b: {  	v7 =	vadd.f32 v10, v11;
	v4 =	vadd.f32 v4, v6;
	v6 =	vunpack.i.l.bf16.f32 v8  }
0x5c: {  	v8 =	vunpack.i.u.bf16.f32 v8;
	v6 =	vadd.f32 v6, v12;
	v3 =	vadd.f32 v3, v5  }
0x5d: {  	v5 =	vadd.f32 v8, v7;
	v2 =	vadd.f32 v2, v4;
	v4 =	vunpack.i.l.bf16.f32 v9  }
0x5e: {  	s12 =	sshll.u32 s31, $0x8;
	v7 =	vunpack.i.u.bf16.f32 v9;
	v4 =	vadd.f32 v4, v6;
	v1 =	vadd.f32 v1, v3  }
0x5f: {  	s1 =	sand.u32 $0x3FFFFF00, s12;
	v3 =	vadd.f32 v7, v5;
	v0 =	vadd.f32 v0, v2;
	v2 =	vunpack.i.l.bf16.f32 v14  }
0x60: {  	v5 =	vunpack.i.u.bf16.f32 v14;
	v2 =	vadd.f32 v2, v4;
	[tilespmem:s1+$0xC800] =	vst v1  }
0x61: {  	v1 =	vadd.f32 v5, v3;
	[tilespmem:s1+$0xC810] =	vst v0  }
0x62: {  	[tilespmem:s1+$0xC820] =	vst v2  }
0x63: {  	[tilespmem:s1+$0xC830] =	vst v1  }
0x64: {  	_ =	swait.ge [sflag:s25], $0xD00  }
0x65: {  	[sflag:s25] =	ssyncset.done $0x0  }
0x66: {  	[sflag:s25] =	ssyncadd.s32 $0xFFFFF300  }
0x67: {  	_ =	swait.ge [sflag:s25], $0xC00  }
0x68: {  	s9 =	sadd.s32 @!p0 $0x3E8, s0;
	[sflag:s25] =	ssyncset.done $0x0  }
0x69: {  	s11 =	simm.s32 @!p0 $0x68;
	s12 =	simm.s32 @!p0 $0x7D00;
	[sflag:s25] =	ssyncadd.s32 $0xFFFFF400  }
0x6a: {  	[tilespmem:s12], [sflag:$0x2] =	stream.indirect.gather @!p0 [hbm4b:s3+s11], $0x20, s9, s11, $0xb8;
	[tilespmem:$0xE800] =	vst v63  }
0x6b: {  	s9 =	sadd.s32 @!p0 $0x450, s0;
	s11 =	simm.s32 @!p0 $0x60;
	s12 =	simm.s32 @!p0 $0x8A00  }
0x6c: {  	[tilespmem:s12], [sflag:$0x2] =	stream.indirect.gather @!p0 [hbm4b:s3+s11], $0x20, s9, s11, $0xb8;
	[tilespmem:$0xE800] =	vst v63  }
0x6d: {  	s9 =	simm.s32 $0x7D80  }
0x6e: {  	v1 =	vld [tilespmem:s9+$0x60]  }
0x6f: {  	v3 =	vld [tilespmem:s9+$0x40]  }
0x70: {  	v5 =	vld [tilespmem:s9+$0x20]  }
0x71: {  	v7 =	vld [tilespmem:s9+$0x0]  }
0x72: {  	v8 =	vld [tilespmem:s9+$0xFFFFFFE0]  }
0x73: {  	v9 =	vld [tilespmem:s9+$0xFFFFFFC0]  }
0x74: {  	v10 =	vld [tilespmem:s9+$0xFFFFFFA0]  }
0x75: {  	v11 =	vld [tilespmem:s9+$0xFFFFFF80]  }
0x76: {  	v12 =	vimm.f32 $0.0e+00;
	v13 =	vld [tilespmem:s9+$0xFFFFFF90];
	v0 =	vunpack.i.u.bf16.f32 v1;
	v1 =	vunpack.i.l.bf16.f32 v1  }
0x77: {  	v4 =	vunpack.i.u.bf16.f32 v5;
	v2 =	vunpack.i.u.bf16.f32 v3;
	v3 =	vunpack.i.l.bf16.f32 v3  }
0x78: {  	v14 =	vld [tilespmem:s9+$0xFFFFFFB0];
	v6 =	vunpack.i.u.bf16.f32 v7;
	v7 =	vunpack.i.l.bf16.f32 v7;
	v5 =	vunpack.i.l.bf16.f32 v5  }
0x79: {  	v15 =	vunpack.i.u.bf16.f32 v9;
	v16 =	vunpack.i.u.bf16.f32 v8;
	v17 =	vunpack.i.l.bf16.f32 v8  }
0x7a: {  	v18 =	vld [tilespmem:s9+$0xFFFFFFD0];
	v8 =	vunpack.i.u.bf16.f32 v10;
	v19 =	vunpack.i.u.bf16.f32 v11;
	v11 =	vunpack.i.l.bf16.f32 v11  }
0x7b: {  	v20 =	vunpack.i.u.bf16.f32 v13;
	v13 =	vunpack.i.l.bf16.f32 v13;
	v11 =	vadd.f32 v11, v12  }
0x7c: {  	v21 =	vld [tilespmem:s9+$0xFFFFFFF0];
	v10 =	vunpack.i.l.bf16.f32 v10;
	v19 =	vadd.f32 v19, v12;
	v13 =	vadd.f32 v13, v12  }
0x7d: {  	v12 =	vadd.f32 v20, v12;
	v11 =	vadd.f32 v10, v11;
	v10 =	vunpack.i.l.bf16.f32 v14  }
0x7e: {  	v62 =	vunpack.i.u.bf16.f32 v14;
	v8 =	vadd.f32 v8, v19;
	v13 =	vadd.f32 v10, v13;
	v10 =	vld [tilespmem:s9+$0x10]  }
0x7f: {  	v9 =	vunpack.i.l.bf16.f32 v9;
	v14 =	vadd.f32 v62, v12;
	v19 =	vunpack.i.u.bf16.f32 v18  }
0x80: {  	v9 =	vadd.f32 v9, v11;
	v63 =	vadd.f32 v15, v8;
	v11 =	vunpack.i.l.bf16.f32 v18;
	v8 =	vld [tilespmem:s9+$0x30]  }
0x81: {  	v12 =	vadd.f32 v11, v13;
	v11 =	vadd.f32 v19, v14;
	v13 =	vunpack.i.u.bf16.f32 v21  }
0x82: {  	s11 =	simm.s32 $0x0;
	s12 =	simm.s32 $0x7E80;
	v15 =	vadd.f32 v17, v9;
	v14 =	vadd.f32 v16, v63;
	v16 =	vunpack.i.l.bf16.f32 v21;
	v9 =	vld [tilespmem:s9+$0x50]  }
.LBB2_5:
0x83: {  	v17 =	vld [tilespmem:s12+$0x60];
	v12 =	vadd.f32 v16, v12;
	v11 =	vadd.f32 v13, v11;
	v13 =	vunpack.i.u.bf16.f32 v10  }
0x84: {  	v10 =	vunpack.i.l.bf16.f32 v10;
	v7 =	vadd.f32 v7, v15;
	v6 =	vadd.f32 v6, v14;
	v14 =	vld [tilespmem:s9+$0x70];
	s9 =	smov.u32 s12  }
0x85: {  	v15 =	vld [tilespmem:s12+$0x40];
	v10 =	vadd.f32 v10, v12;
	v11 =	vadd.f32 v13, v11;
	v12 =	vunpack.i.u.bf16.f32 v8  }
0x86: {  	v13 =	vld [tilespmem:s12+$0x20];
	v5 =	vadd.f32 v5, v7;
	v4 =	vadd.f32 v4, v6;
	v6 =	vunpack.i.l.bf16.f32 v8  }
0x87: {  	v7 =	vld [tilespmem:s12+$0x0];
	v6 =	vadd.f32 v6, v10;
	v8 =	vadd.f32 v12, v11;
	v10 =	vunpack.i.u.bf16.f32 v9  }
0x88: {  	v11 =	vld [tilespmem:s12+$0xFFFFFFE0];
	v3 =	vadd.f32 v3, v5;
	v2 =	vadd.f32 v2, v4;
	v4 =	vunpack.i.l.bf16.f32 v9  }
0x89: {  	v9 =	vld [tilespmem:s12+$0xFFFFFFC0];
	v4 =	vadd.f32 v4, v6;
	v5 =	vadd.f32 v10, v8;
	v6 =	vunpack.i.u.bf16.f32 v14  }
0x8a: {  	v8 =	vld [tilespmem:s12+$0xFFFFFFA0];
	v10 =	vadd.f32 v1, v3;
	v12 =	vadd.f32 v0, v2;
	v0 =	vunpack.i.l.bf16.f32 v14  }
0x8b: {  	v14 =	vld [tilespmem:s12+$0xFFFFFF80];
	v16 =	vadd.f32 v0, v4;
	v18 =	vadd.f32 v6, v5  }
0x8c: {  	v1 =	vunpack.i.l.bf16.f32 v17;
	v0 =	vunpack.i.u.bf16.f32 v17;
	v19 =	vld [tilespmem:s12+$0xFFFFFF90]  }
0x8d: {  	s11 =	sadd.s32 $0x8, s11;
	v2 =	vunpack.i.u.bf16.f32 v15;
	v3 =	vunpack.i.l.bf16.f32 v15;
	v4 =	vunpack.i.u.bf16.f32 v13  }
0x8e: {  	p1 =	slt.u32 s11, $0xC0;
	v5 =	vunpack.i.l.bf16.f32 v13;
	v6 =	vunpack.i.u.bf16.f32 v7;
	v7 =	vunpack.i.l.bf16.f32 v7;
	v15 =	vld [tilespmem:s12+$0xFFFFFFB0]  }
0x8f: {  	v17 =	vunpack.i.u.bf16.f32 v11;
	v20 =	vunpack.i.l.bf16.f32 v11;
	v13 =	vunpack.i.u.bf16.f32 v9  }
0x90: {  	v9 =	vunpack.i.l.bf16.f32 v9;
	v11 =	vunpack.i.u.bf16.f32 v8;
	v8 =	vunpack.i.l.bf16.f32 v8;
	v21 =	vld [tilespmem:s12+$0xFFFFFFD0]  }
0x91: {  	v22 =	vunpack.i.u.bf16.f32 v14;
	v14 =	vunpack.i.l.bf16.f32 v14;
	v23 =	vunpack.i.u.bf16.f32 v19  }
0x92: {  	v10 =	vadd.f32 v14, v10;
	v12 =	vadd.f32 v22, v12;
	v14 =	vunpack.i.l.bf16.f32 v19;
	v19 =	vld [tilespmem:s12+$0xFFFFFFF0]  }
0x93: {  	v14 =	vadd.f32 v14, v16;
	v16 =	vadd.f32 v23, v18;
	v18 =	vunpack.i.u.bf16.f32 v15  }
.Ltmp1:
0x94: {  	v8 =	vadd.f32 v8, v10;
	v11 =	vadd.f32 v11, v12;
	v12 =	vunpack.i.l.bf16.f32 v15;
	v10 =	vld [tilespmem:s12+$0x10];
	(pc) =	sbr.rel @p1 .LBB2_5-.Ltmp1, $4  }
0x95: {  	v12 =	vadd.f32 v12, v14;
	v14 =	vadd.f32 v18, v16;
	v15 =	vunpack.i.u.bf16.f32 v21  }
0x96: {  	v9 =	vadd.f32 v9, v8;
	v16 =	vadd.f32 v13, v11;
	v11 =	vunpack.i.l.bf16.f32 v21;
	v8 =	vld [tilespmem:s12+$0x30]  }
0x97: {  	v12 =	vadd.f32 v11, v12;
	v11 =	vadd.f32 v15, v14;
	v13 =	vunpack.i.u.bf16.f32 v19  }
0x98: {  	s12 =	sadd.s32 $0x100, s12;
	v15 =	vadd.f32 v20, v9;
	v14 =	vadd.f32 v17, v16;
	v16 =	vunpack.i.l.bf16.f32 v19;
	v9 =	vld [tilespmem:s9+$0x50]  }
0x99: {  	_ = 	snop  }
0x9a: {  	v12 =	vadd.f32 v16, v12;
	v7 =	vadd.f32 v7, v15  }
0x9b: {  	v11 =	vadd.f32 v13, v11;
	v13 =	vunpack.i.l.bf16.f32 v10;
	v6 =	vadd.f32 v6, v14  }
0x9c: {  	v10 =	vunpack.i.u.bf16.f32 v10;
	v14 =	vld [tilespmem:s9+$0x70];
	v12 =	vadd.f32 v13, v12;
	v5 =	vadd.f32 v5, v7  }
0x9d: {  	v7 =	vadd.f32 v10, v11;
	v4 =	vadd.f32 v4, v6;
	v6 =	vunpack.i.l.bf16.f32 v8  }
0x9e: {  	v8 =	vunpack.i.u.bf16.f32 v8;
	v6 =	vadd.f32 v6, v12;
	v3 =	vadd.f32 v3, v5  }
0x9f: {  	v5 =	vadd.f32 v8, v7;
	v2 =	vadd.f32 v2, v4;
	v4 =	vunpack.i.l.bf16.f32 v9  }
0xa0: {  	v7 =	vunpack.i.u.bf16.f32 v9;
	v4 =	vadd.f32 v4, v6;
	v1 =	vadd.f32 v1, v3  }
0xa1: {  	v3 =	vadd.f32 v7, v5;
	v0 =	vadd.f32 v0, v2;
	v2 =	vunpack.i.l.bf16.f32 v14  }
0xa2: {  	v5 =	vunpack.i.u.bf16.f32 v14;
	v2 =	vadd.f32 v2, v4;
	[tilespmem:s1+$0xC840] =	vst v1  }
0xa3: {  	v1 =	vadd.f32 v5, v3;
	[tilespmem:s1+$0xC850] =	vst v0  }
0xa4: {  	[tilespmem:s1+$0xC860] =	vst v2  }
0xa5: {  	[tilespmem:s1+$0xC870] =	vst v1  }
0xa6: {  	_ =	swait.ge [sflag:s26], $0xD00  }
0xa7: {  	[sflag:s26] =	ssyncset.done $0x0  }
0xa8: {  	[sflag:s26] =	ssyncadd.s32 $0xFFFFF300  }
0xa9: {  	_ =	swait.ge [sflag:s26], $0xC00  }
0xaa: {  	s11 =	simm.s32 @!p0 $0x68;
	[sflag:s26] =	ssyncset.done $0x0  }
0xab: {  	s12 =	simm.s32 @!p0 $0x9600;
	s9 =	sadd.s32 @!p0 $0x4B0, s0;
	[sflag:s26] =	ssyncadd.s32 $0xFFFFF400  }
0xac: {  	[tilespmem:s12], [sflag:$0x3] =	stream.indirect.gather @!p0 [hbm4b:s3+s11], $0x20, s9, s11, $0xb8;
	[tilespmem:$0xE800] =	vst v63  }
0xad: {  	s9 =	sadd.s32 @!p0 $0x518, s0;
	s11 =	simm.s32 @!p0 $0x60;
	s12 =	simm.s32 @!p0 $0xA300  }
0xae: {  	[tilespmem:s12], [sflag:$0x3] =	stream.indirect.gather @!p0 [hbm4b:s3+s11], $0x20, s9, s11, $0xb8;
	[tilespmem:$0xE800] =	vst v63  }
0xaf: {  	s9 =	simm.s32 $0x9680  }
0xb0: {  	v1 =	vld [tilespmem:s9+$0x60]  }
0xb1: {  	v3 =	vld [tilespmem:s9+$0x40]  }
0xb2: {  	v5 =	vld [tilespmem:s9+$0x20]  }
0xb3: {  	v7 =	vld [tilespmem:s9+$0x0]  }
0xb4: {  	v8 =	vld [tilespmem:s9+$0xFFFFFFE0]  }
0xb5: {  	v9 =	vld [tilespmem:s9+$0xFFFFFFC0]  }
0xb6: {  	v10 =	vld [tilespmem:s9+$0xFFFFFFA0]  }
0xb7: {  	v11 =	vld [tilespmem:s9+$0xFFFFFF80]  }
0xb8: {  	v12 =	vimm.f32 $0.0e+00;
	v13 =	vld [tilespmem:s9+$0xFFFFFF90];
	v0 =	vunpack.i.u.bf16.f32 v1;
	v1 =	vunpack.i.l.bf16.f32 v1  }
0xb9: {  	v4 =	vunpack.i.u.bf16.f32 v5;
	v2 =	vunpack.i.u.bf16.f32 v3;
	v3 =	vunpack.i.l.bf16.f32 v3  }
0xba: {  	v14 =	vld [tilespmem:s9+$0xFFFFFFB0];
	v6 =	vunpack.i.u.bf16.f32 v7;
	v7 =	vunpack.i.l.bf16.f32 v7;
	v5 =	vunpack.i.l.bf16.f32 v5  }
0xbb: {  	v15 =	vunpack.i.u.bf16.f32 v9;
	v16 =	vunpack.i.u.bf16.f32 v8;
	v17 =	vunpack.i.l.bf16.f32 v8  }
0xbc: {  	v18 =	vld [tilespmem:s9+$0xFFFFFFD0];
	v8 =	vunpack.i.u.bf16.f32 v10;
	v19 =	vunpack.i.u.bf16.f32 v11;
	v11 =	vunpack.i.l.bf16.f32 v11  }
0xbd: {  	v20 =	vunpack.i.u.bf16.f32 v13;
	v13 =	vunpack.i.l.bf16.f32 v13;
	v11 =	vadd.f32 v11, v12  }
0xbe: {  	v21 =	vld [tilespmem:s9+$0xFFFFFFF0];
	v10 =	vunpack.i.l.bf16.f32 v10;
	v19 =	vadd.f32 v19, v12;
	v13 =	vadd.f32 v13, v12  }
0xbf: {  	v12 =	vadd.f32 v20, v12;
	v11 =	vadd.f32 v10, v11;
	v10 =	vunpack.i.l.bf16.f32 v14  }
0xc0: {  	v62 =	vunpack.i.u.bf16.f32 v14;
	v8 =	vadd.f32 v8, v19;
	v13 =	vadd.f32 v10, v13;
	v10 =	vld [tilespmem:s9+$0x10]  }
0xc1: {  	v9 =	vunpack.i.l.bf16.f32 v9;
	v14 =	vadd.f32 v62, v12;
	v19 =	vunpack.i.u.bf16.f32 v18  }
0xc2: {  	v9 =	vadd.f32 v9, v11;
	v63 =	vadd.f32 v15, v8;
	v11 =	vunpack.i.l.bf16.f32 v18;
	v8 =	vld [tilespmem:s9+$0x30]  }
0xc3: {  	v12 =	vadd.f32 v11, v13;
	v11 =	vadd.f32 v19, v14;
	v13 =	vunpack.i.u.bf16.f32 v21  }
0xc4: {  	s11 =	simm.s32 $0x0;
	s12 =	simm.s32 $0x9780;
	v15 =	vadd.f32 v17, v9;
	v14 =	vadd.f32 v16, v63;
	v16 =	vunpack.i.l.bf16.f32 v21;
	v9 =	vld [tilespmem:s9+$0x50]  }
.LBB2_7:
0xc5: {  	v17 =	vld [tilespmem:s12+$0x60];
	v12 =	vadd.f32 v16, v12;
	v11 =	vadd.f32 v13, v11;
	v13 =	vunpack.i.u.bf16.f32 v10  }
0xc6: {  	v10 =	vunpack.i.l.bf16.f32 v10;
	v7 =	vadd.f32 v7, v15;
	v6 =	vadd.f32 v6, v14;
	v14 =	vld [tilespmem:s9+$0x70];
	s9 =	smov.u32 s12  }
0xc7: {  	v15 =	vld [tilespmem:s12+$0x40];
	v10 =	vadd.f32 v10, v12;
	v11 =	vadd.f32 v13, v11;
	v12 =	vunpack.i.u.bf16.f32 v8  }
0xc8: {  	v13 =	vld [tilespmem:s12+$0x20];
	v5 =	vadd.f32 v5, v7;
	v4 =	vadd.f32 v4, v6;
	v6 =	vunpack.i.l.bf16.f32 v8  }
0xc9: {  	v7 =	vld [tilespmem:s12+$0x0];
	v6 =	vadd.f32 v6, v10;
	v8 =	vadd.f32 v12, v11;
	v10 =	vunpack.i.u.bf16.f32 v9  }
0xca: {  	v11 =	vld [tilespmem:s12+$0xFFFFFFE0];
	v3 =	vadd.f32 v3, v5;
	v2 =	vadd.f32 v2, v4;
	v4 =	vunpack.i.l.bf16.f32 v9  }
0xcb: {  	v9 =	vld [tilespmem:s12+$0xFFFFFFC0];
	v4 =	vadd.f32 v4, v6;
	v5 =	vadd.f32 v10, v8;
	v6 =	vunpack.i.u.bf16.f32 v14  }
0xcc: {  	v8 =	vld [tilespmem:s12+$0xFFFFFFA0];
	v10 =	vadd.f32 v1, v3;
	v12 =	vadd.f32 v0, v2;
	v0 =	vunpack.i.l.bf16.f32 v14  }
0xcd: {  	v14 =	vld [tilespmem:s12+$0xFFFFFF80];
	v16 =	vadd.f32 v0, v4;
	v18 =	vadd.f32 v6, v5  }
0xce: {  	v1 =	vunpack.i.l.bf16.f32 v17;
	v0 =	vunpack.i.u.bf16.f32 v17;
	v19 =	vld [tilespmem:s12+$0xFFFFFF90]  }
0xcf: {  	s11 =	sadd.s32 $0x8, s11;
	v2 =	vunpack.i.u.bf16.f32 v15;
	v3 =	vunpack.i.l.bf16.f32 v15;
	v4 =	vunpack.i.u.bf16.f32 v13  }
0xd0: {  	p1 =	slt.u32 s11, $0xC0;
	v5 =	vunpack.i.l.bf16.f32 v13;
	v6 =	vunpack.i.u.bf16.f32 v7;
	v7 =	vunpack.i.l.bf16.f32 v7;
	v15 =	vld [tilespmem:s12+$0xFFFFFFB0]  }
0xd1: {  	v17 =	vunpack.i.u.bf16.f32 v11;
	v20 =	vunpack.i.l.bf16.f32 v11;
	v13 =	vunpack.i.u.bf16.f32 v9  }
0xd2: {  	v9 =	vunpack.i.l.bf16.f32 v9;
	v11 =	vunpack.i.u.bf16.f32 v8;
	v8 =	vunpack.i.l.bf16.f32 v8;
	v21 =	vld [tilespmem:s12+$0xFFFFFFD0]  }
0xd3: {  	v22 =	vunpack.i.u.bf16.f32 v14;
	v14 =	vunpack.i.l.bf16.f32 v14;
	v23 =	vunpack.i.u.bf16.f32 v19  }
0xd4: {  	v10 =	vadd.f32 v14, v10;
	v12 =	vadd.f32 v22, v12;
	v14 =	vunpack.i.l.bf16.f32 v19;
	v19 =	vld [tilespmem:s12+$0xFFFFFFF0]  }
0xd5: {  	v14 =	vadd.f32 v14, v16;
	v16 =	vadd.f32 v23, v18;
	v18 =	vunpack.i.u.bf16.f32 v15  }
.Ltmp2:
0xd6: {  	v8 =	vadd.f32 v8, v10;
	v11 =	vadd.f32 v11, v12;
	v12 =	vunpack.i.l.bf16.f32 v15;
	v10 =	vld [tilespmem:s12+$0x10];
	(pc) =	sbr.rel @p1 .LBB2_7-.Ltmp2, $4  }
0xd7: {  	v12 =	vadd.f32 v12, v14;
	v14 =	vadd.f32 v18, v16;
	v15 =	vunpack.i.u.bf16.f32 v21  }
0xd8: {  	v9 =	vadd.f32 v9, v8;
	v16 =	vadd.f32 v13, v11;
	v11 =	vunpack.i.l.bf16.f32 v21;
	v8 =	vld [tilespmem:s12+$0x30]  }
0xd9: {  	v12 =	vadd.f32 v11, v12;
	v11 =	vadd.f32 v15, v14;
	v13 =	vunpack.i.u.bf16.f32 v19  }
0xda: {  	s12 =	sadd.s32 $0x100, s12;
	v15 =	vadd.f32 v20, v9;
	v14 =	vadd.f32 v17, v16;
	v16 =	vunpack.i.l.bf16.f32 v19;
	v9 =	vld [tilespmem:s9+$0x50]  }
0xdb: {  	_ = 	snop  }
0xdc: {  	v12 =	vadd.f32 v16, v12;
	v7 =	vadd.f32 v7, v15  }
0xdd: {  	v11 =	vadd.f32 v13, v11;
	v13 =	vunpack.i.l.bf16.f32 v10;
	v6 =	vadd.f32 v6, v14  }
0xde: {  	v10 =	vunpack.i.u.bf16.f32 v10;
	v14 =	vld [tilespmem:s9+$0x70];
	v12 =	vadd.f32 v13, v12;
	v5 =	vadd.f32 v5, v7  }
0xdf: {  	v7 =	vadd.f32 v10, v11;
	v4 =	vadd.f32 v4, v6;
	v6 =	vunpack.i.l.bf16.f32 v8  }
0xe0: {  	v8 =	vunpack.i.u.bf16.f32 v8;
	v6 =	vadd.f32 v6, v12;
	v3 =	vadd.f32 v3, v5  }
0xe1: {  	v5 =	vadd.f32 v8, v7;
	v2 =	vadd.f32 v2, v4;
	v4 =	vunpack.i.l.bf16.f32 v9  }
0xe2: {  	v7 =	vunpack.i.u.bf16.f32 v9;
	v4 =	vadd.f32 v4, v6;
	v1 =	vadd.f32 v1, v3  }
0xe3: {  	v3 =	vadd.f32 v7, v5;
	v0 =	vadd.f32 v0, v2;
	v2 =	vunpack.i.l.bf16.f32 v14  }
0xe4: {  	v5 =	vunpack.i.u.bf16.f32 v14;
	v2 =	vadd.f32 v2, v4;
	[tilespmem:s1+$0xC880] =	vst v1  }
0xe5: {  	v1 =	vadd.f32 v5, v3;
	[tilespmem:s1+$0xC890] =	vst v0  }
0xe6: {  	[tilespmem:s1+$0xC8A0] =	vst v2  }
0xe7: {  	[tilespmem:s1+$0xC8B0] =	vst v1  }
0xe8: {  	_ =	swait.ge [sflag:s28], $0xD00  }
0xe9: {  	[sflag:s28] =	ssyncset.done $0x0  }
0xea: {  	[sflag:s28] =	ssyncadd.s32 $0xFFFFF300  }
0xeb: {  	_ =	swait.ge [sflag:s28], $0xC00  }
0xec: {  	s11 =	simm.s32 @!p0 $0x68;
	[sflag:s28] =	ssyncset.done $0x0  }
0xed: {  	s12 =	simm.s32 @!p0 $0xAF00;
	s9 =	sadd.s32 @!p0 $0x578, s0;
	[sflag:s28] =	ssyncadd.s32 $0xFFFFF400  }
0xee: {  	[tilespmem:s12], [sflag:$0x4] =	stream.indirect.gather @!p0 [hbm4b:s3+s11], $0x20, s9, s11, $0xb8;
	[tilespmem:$0xE800] =	vst v63  }
0xef: {  	s0 =	sadd.s32 @!p0 $0x5E0, s0;
	s9 =	simm.s32 @!p0 $0x60;
	s11 =	simm.s32 @!p0 $0xBC00  }
0xf0: {  	[tilespmem:s11], [sflag:$0x4] =	stream.indirect.gather @!p0 [hbm4b:s3+s9], $0x20, s0, s9, $0xb8;
	[tilespmem:$0xE800] =	vst v63  }
0xf1: {  	s0 =	simm.s32 $0xAF80  }
0xf2: {  	v1 =	vld [tilespmem:s0+$0x60]  }
0xf3: {  	v3 =	vld [tilespmem:s0+$0x40]  }
0xf4: {  	v5 =	vld [tilespmem:s0+$0x20]  }
0xf5: {  	v7 =	vld [tilespmem:s0+$0x0]  }
0xf6: {  	v8 =	vld [tilespmem:s0+$0xFFFFFFE0]  }
0xf7: {  	v9 =	vld [tilespmem:s0+$0xFFFFFFC0]  }
0xf8: {  	v10 =	vld [tilespmem:s0+$0xFFFFFFA0]  }
0xf9: {  	v11 =	vld [tilespmem:s0+$0xFFFFFF80]  }
0xfa: {  	v12 =	vimm.f32 $0.0e+00;
	v13 =	vld [tilespmem:s0+$0xFFFFFF90];
	v0 =	vunpack.i.u.bf16.f32 v1;
	v1 =	vunpack.i.l.bf16.f32 v1  }
0xfb: {  	v4 =	vunpack.i.u.bf16.f32 v5;
	v2 =	vunpack.i.u.bf16.f32 v3;
	v3 =	vunpack.i.l.bf16.f32 v3  }
0xfc: {  	v14 =	vld [tilespmem:s0+$0xFFFFFFB0];
	v6 =	vunpack.i.u.bf16.f32 v7;
	v7 =	vunpack.i.l.bf16.f32 v7;
	v5 =	vunpack.i.l.bf16.f32 v5  }
0xfd: {  	v15 =	vunpack.i.u.bf16.f32 v9;
	v16 =	vunpack.i.u.bf16.f32 v8;
	v17 =	vunpack.i.l.bf16.f32 v8  }
0xfe: {  	v18 =	vld [tilespmem:s0+$0xFFFFFFD0];
	v8 =	vunpack.i.u.bf16.f32 v10;
	v19 =	vunpack.i.u.bf16.f32 v11;
	v11 =	vunpack.i.l.bf16.f32 v11  }
0xff: {  	v20 =	vunpack.i.u.bf16.f32 v13;
	v13 =	vunpack.i.l.bf16.f32 v13;
	v11 =	vadd.f32 v11, v12  }
0x100: {  	v21 =	vld [tilespmem:s0+$0xFFFFFFF0];
	v10 =	vunpack.i.l.bf16.f32 v10;
	v19 =	vadd.f32 v19, v12;
	v13 =	vadd.f32 v13, v12  }
0x101: {  	v12 =	vadd.f32 v20, v12;
	v11 =	vadd.f32 v10, v11;
	v10 =	vunpack.i.l.bf16.f32 v14  }
0x102: {  	v62 =	vunpack.i.u.bf16.f32 v14;
	v8 =	vadd.f32 v8, v19;
	v13 =	vadd.f32 v10, v13;
	v10 =	vld [tilespmem:s0+$0x10]  }
0x103: {  	v9 =	vunpack.i.l.bf16.f32 v9;
	v14 =	vadd.f32 v62, v12;
	v19 =	vunpack.i.u.bf16.f32 v18  }
0x104: {  	v9 =	vadd.f32 v9, v11;
	v63 =	vadd.f32 v15, v8;
	v11 =	vunpack.i.l.bf16.f32 v18;
	v8 =	vld [tilespmem:s0+$0x30]  }
0x105: {  	v12 =	vadd.f32 v11, v13;
	v11 =	vadd.f32 v19, v14;
	v13 =	vunpack.i.u.bf16.f32 v21  }
0x106: {  	s9 =	simm.s32 $0x0;
	s11 =	simm.s32 $0xB080;
	v15 =	vadd.f32 v17, v9;
	v14 =	vadd.f32 v16, v63;
	v16 =	vunpack.i.l.bf16.f32 v21;
	v9 =	vld [tilespmem:s0+$0x50]  }
.LBB2_9:
0x107: {  	v17 =	vld [tilespmem:s11+$0x60];
	v12 =	vadd.f32 v16, v12;
	v11 =	vadd.f32 v13, v11;
	v13 =	vunpack.i.u.bf16.f32 v10  }
0x108: {  	v10 =	vunpack.i.l.bf16.f32 v10;
	v7 =	vadd.f32 v7, v15;
	v6 =	vadd.f32 v6, v14;
	v14 =	vld [tilespmem:s0+$0x70];
	s0 =	smov.u32 s11  }
0x109: {  	v15 =	vld [tilespmem:s11+$0x40];
	v10 =	vadd.f32 v10, v12;
	v11 =	vadd.f32 v13, v11;
	v12 =	vunpack.i.u.bf16.f32 v8  }
0x10a: {  	v13 =	vld [tilespmem:s11+$0x20];
	v5 =	vadd.f32 v5, v7;
	v4 =	vadd.f32 v4, v6;
	v6 =	vunpack.i.l.bf16.f32 v8  }
0x10b: {  	v7 =	vld [tilespmem:s11+$0x0];
	v6 =	vadd.f32 v6, v10;
	v8 =	vadd.f32 v12, v11;
	v10 =	vunpack.i.u.bf16.f32 v9  }
0x10c: {  	v11 =	vld [tilespmem:s11+$0xFFFFFFE0];
	v3 =	vadd.f32 v3, v5;
	v2 =	vadd.f32 v2, v4;
	v4 =	vunpack.i.l.bf16.f32 v9  }
0x10d: {  	v9 =	vld [tilespmem:s11+$0xFFFFFFC0];
	v4 =	vadd.f32 v4, v6;
	v5 =	vadd.f32 v10, v8;
	v6 =	vunpack.i.u.bf16.f32 v14  }
0x10e: {  	v8 =	vld [tilespmem:s11+$0xFFFFFFA0];
	v10 =	vadd.f32 v1, v3;
	v12 =	vadd.f32 v0, v2;
	v0 =	vunpack.i.l.bf16.f32 v14  }
0x10f: {  	v14 =	vld [tilespmem:s11+$0xFFFFFF80];
	v16 =	vadd.f32 v0, v4;
	v18 =	vadd.f32 v6, v5  }
0x110: {  	v1 =	vunpack.i.l.bf16.f32 v17;
	v0 =	vunpack.i.u.bf16.f32 v17;
	v19 =	vld [tilespmem:s11+$0xFFFFFF90]  }
0x111: {  	s9 =	sadd.s32 $0x8, s9;
	v2 =	vunpack.i.u.bf16.f32 v15;
	v3 =	vunpack.i.l.bf16.f32 v15;
	v4 =	vunpack.i.u.bf16.f32 v13  }
0x112: {  	p0 =	slt.u32 s9, $0xC0;
	v5 =	vunpack.i.l.bf16.f32 v13;
	v6 =	vunpack.i.u.bf16.f32 v7;
	v7 =	vunpack.i.l.bf16.f32 v7;
	v15 =	vld [tilespmem:s11+$0xFFFFFFB0]  }
0x113: {  	v17 =	vunpack.i.u.bf16.f32 v11;
	v20 =	vunpack.i.l.bf16.f32 v11;
	v13 =	vunpack.i.u.bf16.f32 v9  }
0x114: {  	v9 =	vunpack.i.l.bf16.f32 v9;
	v11 =	vunpack.i.u.bf16.f32 v8;
	v8 =	vunpack.i.l.bf16.f32 v8;
	v21 =	vld [tilespmem:s11+$0xFFFFFFD0]  }
0x115: {  	v22 =	vunpack.i.u.bf16.f32 v14;
	v14 =	vunpack.i.l.bf16.f32 v14;
	v23 =	vunpack.i.u.bf16.f32 v19  }
0x116: {  	v10 =	vadd.f32 v14, v10;
	v12 =	vadd.f32 v22, v12;
	v14 =	vunpack.i.l.bf16.f32 v19;
	v19 =	vld [tilespmem:s11+$0xFFFFFFF0]  }
0x117: {  	v14 =	vadd.f32 v14, v16;
	v16 =	vadd.f32 v23, v18;
	v18 =	vunpack.i.u.bf16.f32 v15  }
.Ltmp3:
0x118: {  	v8 =	vadd.f32 v8, v10;
	v11 =	vadd.f32 v11, v12;
	v12 =	vunpack.i.l.bf16.f32 v15;
	v10 =	vld [tilespmem:s11+$0x10];
	(pc) =	sbr.rel @p0 .LBB2_9-.Ltmp3, $4  }
0x119: {  	v12 =	vadd.f32 v12, v14;
	v14 =	vadd.f32 v18, v16;
	v15 =	vunpack.i.u.bf16.f32 v21  }
0x11a: {  	v9 =	vadd.f32 v9, v8;
	v16 =	vadd.f32 v13, v11;
	v11 =	vunpack.i.l.bf16.f32 v21;
	v8 =	vld [tilespmem:s11+$0x30]  }
0x11b: {  	v12 =	vadd.f32 v11, v12;
	v11 =	vadd.f32 v15, v14;
	v13 =	vunpack.i.u.bf16.f32 v19  }
0x11c: {  	s11 =	sadd.s32 $0x100, s11;
	v15 =	vadd.f32 v20, v9;
	v14 =	vadd.f32 v17, v16;
	v16 =	vunpack.i.l.bf16.f32 v19;
	v9 =	vld [tilespmem:s0+$0x50]  }
0x11d: {  	_ = 	snop  }
0x11e: {  	v12 =	vadd.f32 v16, v12;
	v7 =	vadd.f32 v7, v15  }
0x11f: {  	v11 =	vadd.f32 v13, v11;
	v51 =	vunpack.i.l.bf16.f32 v10;
	v6 =	vadd.f32 v6, v14  }
0x120: {  	v52 =	vunpack.i.u.bf16.f32 v10;
	v53 =	vld [tilespmem:s0+$0x70];
	v12 =	vadd.f32 v51, v12;
	v5 =	vadd.f32 v5, v7  }
0x121: {  	v54 =	vadd.f32 v52, v11;
	v55 =	vunpack.i.l.bf16.f32 v8;
	v4 =	vadd.f32 v4, v6  }
0x122: {  	v56 =	vunpack.i.u.bf16.f32 v8;
	v6 =	vadd.f32 v55, v12;
	v3 =	vadd.f32 v3, v5  }
0x123: {  	s31 =	sadd.s32 $0x1, s31;
	v57 =	vadd.f32 v56, v54;
	v58 =	vunpack.i.l.bf16.f32 v9;
	v2 =	vadd.f32 v2, v4  }
0x124: {  	p0 =	sne.s32 s31, $0x20;
	v59 =	vunpack.i.u.bf16.f32 v9;
	v4 =	vadd.f32 v58, v6;
	v1 =	vadd.f32 v1, v3  }
.Ltmp4:
0x125: {  	v61 =	vunpack.i.l.bf16.f32 v53;
	v60 =	vadd.f32 v59, v57;
	v0 =	vadd.f32 v0, v2;
	(pc) =	sbr.rel @p0 .LBB2_2-.Ltmp4, $4  }
0x126: {  	v62 =	vunpack.i.u.bf16.f32 v53;
	v2 =	vadd.f32 v61, v4;
	[tilespmem:s1+$0xC8C0] =	vst v1  }
0x127: {  	v63 =	vadd.f32 v62, v60;
	[tilespmem:s1+$0xC8D0] =	vst v0  }
0x128: {  	[tilespmem:s1+$0xC8E0] =	vst v2  }
0x129: {  	[tilespmem:s1+$0xC8F0] =	vst v63  }
0x12a: {  	s30 =	sadd.s32 $0x1, s30  }
0x12b: {  	p0 =	sne.s32 s30, s6  }
.Ltmp5:
0x12c: {  	_ = 	snop;
	(pc) =	sbr.rel @p0 .LBB2_1-.Ltmp5, $4  }
0x12d: {  	[hbm4b:s5+s2] =	stream.linear.scatter [tilespmem:s29], [sflag:$0x5], $0x2000, $0x38;
	[tilespmem:$0xE800] =	vst v63  }
0x12e: {  	_ =	swait.ge [sflag:s7], $0x2000  }
0x12f: {  	[sflag:s7] =	ssyncset.done $0x0  }
0x130: {  	[sflag:s7] =	ssyncadd.s32 $0xFFFFE000  }
0x131: {  	_ =	sfence.sel $0x180000  }
0x132: {  	[bflag:$0x0] =	sbarrier.arrive $0xFFFF  }
0x133: {  	_ =	strace $0x90000047  }
0x134: {  	s0 =	stileid.u32;
	[bflag:$0x2] =	sbarrier.arrive $0xFFFF  }
0x135: {  	p0 =	sne.s32 s0, $0x0;
	s0 =	rddreg [dreg:$0x2]  }
0x136: {  	s0 =	sadd.s32 @!p0 $0x100000, s0  }
0x137: {  	[sflag:s0] =	ssyncadd.tile.s32 @!p0 $0x1;
	_ =	shalt  }
.Lfunc_end2:
_tile_overlayer_lowered:
.L_overlay_start_2:
0x138: {  	(tag) =	ssettag $0x2  }
0x139: {  	s0 =	rddreg [dreg:$0x0];
	s2 =	stileid.u32  }
0x13a: {  	s1 =	rddreg [dreg:$0x1];
	p0 =	sne.s32 s2, $0x0  }
0x13b: {  	s3 =	rddreg [dreg:$0x2];
	[bflag:$0x3] =	sbarrier.arrive $0xFFFF;
	s2 =	simm.s32 @!p0 $0x1C05  }
0x13c: {  	[timem:s3], [sflag:s2] =	dma.local @!p0 [hbm:s0], s1  }
0x13d: {  	s0 =	simm.s32 @!p0 $0x5  }
0x13e: {  	_ =	swait.ge @!p0 [sflag:s0], s1  }
0x13f: {  	s1 =	ssub.s32 @!p0 $0x0, s1;
	[sflag:s0] =	ssyncset.done @!p0 $0x0  }
0x140: {  	[sflag:s0] =	ssyncadd.s32 @!p0 s1  }
0x141: {  	[bflag:$0x3] =	sbarrier.arrive $0xFFFF  }
0x142: {  	_ =	shalt  }

</sc_bundles>
